<compile_context>
chip_gen: v7x
topology: tpu7x:2x2x1
jax: 0.10.2.dev20260603
libtpu: 0.0.44.dev20260713+nightly
codegen_flags: <defaults>
</compile_context>

<pallas_src>
import functools

import jax
import jax.numpy as jnp
from jax import lax
from jax.experimental import pallas as pl
from jax.experimental.pallas import tpu as pltpu
from jax.experimental.pallas import tpu_sc as plsc

_NB = 256
_CLIP = 40.0
_TS = 64
_H = 512
_IMGS = 24
_NTILES = _IMGS * 8 * 8
_NC = 2
_NS = 16
_NW = _NC * _NS
_HIST_STRIPS_PER_W = (_IMGS * 8) // _NW
_APPLY_STRIPS_PER_W = (_IMGS * 16) // _NW



def _minmax_body(x_ref, mn_ref, mx_ref):
    i = pl.program_id(0)
    xb = x_ref[...]
    m = jnp.min(xb)
    mx = jnp.max(xb)

    @pl.when(i == 0)
    def _():
        mn_ref[0, 0] = m
        mx_ref[0, 0] = mx

    @pl.when(i > 0)
    def _():
        mn_ref[0, 0] = jnp.minimum(mn_ref[0, 0], m)
        mx_ref[0, 0] = jnp.maximum(mx_ref[0, 0], mx)


def _minmax(x):
    return pl.pallas_call(
        _minmax_body,
        grid=(_IMGS,),
        in_specs=[pl.BlockSpec((1, _H, _H), lambda i: (i, 0, 0))],
        out_specs=[pl.BlockSpec((1, 1), lambda i: (0, 0),
                                memory_space=pltpu.SMEM),
                   pl.BlockSpec((1, 1), lambda i: (0, 0),
                                memory_space=pltpu.SMEM)],
        out_shape=[jax.ShapeDtypeStruct((1, 1), jnp.float32),
                   jax.ShapeDtypeStruct((1, 1), jnp.float32)],
    )(x)



def _histlut_body(x_hbm, prm_hbm, lut_hbm, xs_v, h16_v, h256_v, prm_v):
    wid = lax.axis_index("s") * _NC + lax.axis_index("c")
    pltpu.sync_copy(prm_hbm, prm_v)
    mn = prm_v[0, :]
    sc = prm_v[1, :]
    lanes256 = lax.iota(jnp.int32, 16) * _NB
    zero16 = jnp.zeros((16,), jnp.float32)
    ones16 = jnp.ones((16,), jnp.float32)

    def strip_body(sidx, _):
        strip = wid * _HIST_STRIPS_PER_W + sidx
        img = strip // 8
        ty = strip % 8
        pltpu.sync_copy(x_hbm.at[img, pl.ds(ty * _TS, _TS)], xs_v)

        def tile_body(gx, _):
            def zgrp(g, _):
                h16_v[pl.ds(g * 16, 16)] = zero16
                return 0
            lax.fori_loop(0, 256, zgrp, 0)

            def row_body(r, _):
                def grp_body(j, _):
                    col = gx * _TS + j * 16
                    xv = xs_v[r, pl.ds(col, 16)]
                    vf = (xv - mn) * sc + 0.5
                    vi = jnp.minimum(vf.astype(jnp.int32), _NB - 1)
                    plsc.addupdate_scatter(h16_v, [lanes256 + vi], ones16)
                    return 0
                return lax.fori_loop(0, 4, grp_body, 0)
            lax.fori_loop(0, _TS, row_body, 0)

            def red_body(g, _):
                def racc(l, a):
                    return a + h16_v[pl.ds(l * _NB + g * 16, 16)]
                acc = lax.fori_loop(0, 16, racc, zero16)
                h256_v[pl.ds(g * 16, 16)] = acc
                return 0
            lax.fori_loop(0, 16, red_body, 0)

            def exc_body(g, tot):
                h = h256_v[pl.ds(g * 16, 16)]
                return tot + jnp.sum(h - jnp.minimum(h, _CLIP))
            excess = lax.fori_loop(0, 16, exc_body, jnp.float32(0.0))
            add = excess * (1.0 / _NB)

            def lut_body(g, carry):
                h = jnp.minimum(h256_v[pl.ds(g * 16, 16)], _CLIP) + add
                cs = jnp.cumsum(h) + carry
                lutv = jnp.minimum(jnp.maximum(cs * (1.0 / 4096.0), 0.0), 1.0)
                h256_v[pl.ds(g * 16, 16)] = lutv
                return carry + jnp.sum(h)
            lax.fori_loop(0, 16, lut_body, jnp.float32(0.0))

            tile = strip * 8 + gx
            pltpu.sync_copy(h256_v, lut_hbm.at[tile])
            return 0
        lax.fori_loop(0, 8, tile_body, 0)
        return 0
    lax.fori_loop(0, _HIST_STRIPS_PER_W, strip_body, 0)



def _apply_body(x_hbm, lut_hbm, prm_hbm, out_hbm,
                xs_v, os_v, lutA_v, lutB_v, wy_v, prm_v):
    wid = lax.axis_index("s") * _NC + lax.axis_index("c")
    pltpu.sync_copy(prm_hbm, prm_v)
    mn = prm_v[0, :]
    sc = prm_v[1, :]
    iotaf = lax.iota(jnp.int32, 16).astype(jnp.float32)

    def strip_body(sidx, _):
        strip = wid * _APPLY_STRIPS_PER_W + sidx
        img = strip // 16
        qy = strip % 16
        ty = qy // 2
        y0 = jnp.where(qy % 2 == 0, jnp.maximum(ty - 1, 0), ty)
        y1 = jnp.where(qy % 2 == 0, ty, jnp.minimum(ty + 1, 7))
        pltpu.sync_copy(x_hbm.at[img, pl.ds(qy * 32, 32)], xs_v)
        pltpu.sync_copy(lut_hbm.at[img, y0], lutA_v)
        pltpu.sync_copy(lut_hbm.at[img, y1], lutB_v)

        for k in (0, 1):
            rowf = iotaf + (qy * 32 + k * 16).astype(jnp.float32)
            z = (rowf + 0.5) * (1.0 / 64.0) - 0.5
            zi = (z + 8.0).astype(jnp.int32)
            wy_v[pl.ds(k * 16, 16)] = z - (zi.astype(jnp.float32) - 8.0)

        def qx_body(qx, _):
            tx = qx // 2
            x0 = jnp.where(qx % 2 == 0, jnp.maximum(tx - 1, 0), tx)
            x1 = jnp.where(qx % 2 == 0, tx, jnp.minimum(tx + 1, 7))
            x0v = jnp.broadcast_to(x0 * _NB, (16,))
            x1v = jnp.broadcast_to(x1 * _NB, (16,))
            colf0 = iotaf + (qx * 32).astype(jnp.float32)
            wxs = []
            for j in (0, 1):
                zc = (colf0 + (j * 16 + 0.5)) * (1.0 / 64.0) - 0.5
                zci = (zc + 8.0).astype(jnp.int32)
                wxs.append(zc - (zci.astype(jnp.float32) - 8.0))

            def row_body(r, _):
                wyv = plsc.load_gather(wy_v, [jnp.broadcast_to(r, (16,))])
                for j in (0, 1):
                    col = qx * 32 + j * 16
                    xv = xs_v[r, pl.ds(col, 16)]
                    vf = (xv - mn) * sc + 0.5
                    vi = jnp.minimum(vf.astype(jnp.int32), _NB - 1)
                    g00 = plsc.load_gather(lutA_v, [x0v + vi])
                    g01 = plsc.load_gather(lutA_v, [x1v + vi])
                    g10 = plsc.load_gather(lutB_v, [x0v + vi])
                    g11 = plsc.load_gather(lutB_v, [x1v + vi])
                    wx = wxs[j]
                    top = g00 + wx * (g01 - g00)
                    bot = g10 + wx * (g11 - g10)
                    os_v[r, pl.ds(col, 16)] = top + wyv * (bot - top)
                return 0
            lax.fori_loop(0, 32, row_body, 0)
            return 0
        lax.fori_loop(0, 16, qx_body, 0)
        pltpu.sync_copy(os_v, out_hbm.at[img, pl.ds(qy * 32, 32)])
        return 0
    lax.fori_loop(0, _APPLY_STRIPS_PER_W, strip_body, 0)



_SC_MESH = plsc.VectorSubcoreMesh(core_axis_name="c", subcore_axis_name="s")
_SC_PARAMS = pltpu.CompilerParams(needs_layout_passes=False)

_histlut = functools.partial(
    pl.kernel,
    mesh=_SC_MESH,
    compiler_params=_SC_PARAMS,
    out_type=jax.ShapeDtypeStruct((_NTILES, _NB), jnp.float32),
    scratch_types=[
        pltpu.VMEM((_TS, _H), jnp.float32),
        pltpu.VMEM((16 * _NB,), jnp.float32),
        pltpu.VMEM((_NB,), jnp.float32),
        pltpu.VMEM((2, 16), jnp.float32),
    ],
)(_histlut_body)

_apply = functools.partial(
    pl.kernel,
    mesh=_SC_MESH,
    compiler_params=_SC_PARAMS,
    out_type=jax.ShapeDtypeStruct((_IMGS, _H, _H), jnp.float32),
    scratch_types=[
        pltpu.VMEM((32, _H), jnp.float32),
        pltpu.VMEM((32, _H), jnp.float32),
        pltpu.VMEM((8 * _NB,), jnp.float32),
        pltpu.VMEM((8 * _NB,), jnp.float32),
        pltpu.VMEM((32,), jnp.float32),
        pltpu.VMEM((2, 16), jnp.float32),
    ],
)(_apply_body)


def kernel(t):
    x = t[0].reshape(_IMGS, _H, _H)
    mn_a, mx_a = _minmax(x)
    mn = mn_a[0, 0]
    scale = 255.0 / (mx_a[0, 0] - mn + 1e-12)
    prm = jnp.stack([jnp.broadcast_to(mn, (16,)),
                     jnp.broadcast_to(scale, (16,))])
    lut = _histlut(x, prm)
    out = _apply(x, lut.reshape(_IMGS, 8, 8 * _NB), prm)
    out0 = out.reshape(t.shape[1:])
    return (out0,) + tuple(t[i] for i in range(1, t.shape[0]))

# --- scband reference (transcript-rebuilt; emitter-appended) ---
"""Pipeline reference for scband-clahe-31258771980541 (READ-ONLY COPY).

The authoritative reference and input builder live on the scoring server;
editing this copy changes nothing except your own understanding.
"""

import jax, jax.numpy as jnp
import numpy as np

GRID = (8, 8)
NBINS = 256
CLIP_LIMIT = 2.5


def normalize_in_range(x, lo, hi):
    mn = jnp.min(x)
    mx = jnp.max(x)
    return (x - mn) / (mx - mn + 1e-12) * (hi - lo) + lo


def equalize_clahe(x, clip_limit):
    B, C, H, W = x.shape
    GH, GW = GRID
    th, tw = H // GH, W // GW
    npix = th * tw
    # quantize pixel values to bins (used for both histogram and LUT lookup)
    v = jnp.clip(jnp.round(x * (NBINS - 1)), 0, NBINS - 1).astype(jnp.int32)
    # per-tile histograms via a single big scatter-add (bincount)
    vt = v.reshape(B, C, GH, th, GW, tw).transpose(0, 1, 2, 4, 3, 5).reshape(-1, npix)
    ntiles = vt.shape[0]
    tile_ids = jnp.arange(ntiles, dtype=jnp.int32)[:, None]
    flat_ids = (tile_ids * NBINS + vt).reshape(-1)
    hist = jnp.bincount(flat_ids, length=ntiles * NBINS).reshape(ntiles, NBINS).astype(jnp.float32)
    # clip histogram and redistribute excess uniformly (CLAHE contrast limiting)
    clip = clip_limit * npix / NBINS
    clipped = jnp.minimum(hist, clip)
    excess = jnp.sum(hist - clipped, axis=-1, keepdims=True)
    hist_c = clipped + excess / NBINS
    # CDF -> per-tile LUT mapping bin -> equalized intensity in [0, 1]
    cdf = jnp.cumsum(hist_c, axis=-1)
    lut = jnp.clip(cdf / npix, 0.0, 1.0)
    lutf = lut.reshape(B, C, GH * GW * NBINS)
    # bilinear interpolation between the LUTs of the 4 nearest tile centers
    ys = (jnp.arange(H, dtype=jnp.float32) + 0.5) / th - 0.5
    xs = (jnp.arange(W, dtype=jnp.float32) + 0.5) / tw - 0.5
    yf = jnp.floor(ys)
    xf = jnp.floor(xs)
    y0 = jnp.clip(yf, 0, GH - 1).astype(jnp.int32)
    y1 = jnp.clip(yf + 1, 0, GH - 1).astype(jnp.int32)
    x0 = jnp.clip(xf, 0, GW - 1).astype(jnp.int32)
    x1 = jnp.clip(xf + 1, 0, GW - 1).astype(jnp.int32)
    wy = jnp.clip(ys - yf, 0.0, 1.0)[:, None]
    wx = jnp.clip(xs - xf, 0.0, 1.0)[None, :]

    def gather(yi, xi):
        base = (yi[:, None] * GW + xi[None, :]) * NBINS  # (H, W)
        idx = (base[None, None, :, :] + v).reshape(B, C, H * W)
        return jnp.take_along_axis(lutf, idx, axis=-1).reshape(B, C, H, W)

    g00 = gather(y0, x0)
    g01 = gather(y0, x1)
    g10 = gather(y1, x0)
    g11 = gather(y1, x1)
    top = g00 * (1.0 - wx) + g01 * wx
    bot = g10 * (1.0 - wx) + g11 * wx
    return top * (1.0 - wy) + bot * wy


def setup_inputs(seed: int = 0):
    key = jax.random.key(seed)
    t = jax.random.normal(key, (2, 8, 3, 512, 512), dtype=jnp.float32)
    return {"t": t}


def reference(t):
    x = t[0]
    l = [t[i] for i in range(t.shape[0])]
    x = normalize_in_range(x, 0.0, 1.0)
    x = equalize_clahe(x, CLIP_LIMIT)
    l[0] = x
    return tuple(l)

if __name__ == "__main__":
    import jax
    _d = setup_inputs()
    print(jax.jit(kernel)(*tuple(_d.values())))

</pallas_src>

<mosaic_0001>
#map = affine_map<(d0, d1) -> (0, 0, 0)>
#map1 = affine_map<(d0, d1) -> (0, 0)>
module attributes {stable_mosaic.version = 14 : i64} {
  func.func @_apply_body(%arg0: i32, %arg1: i32, %arg2: memref<24x512x512xf32, #tpu.memory_space<hbm>>, %arg3: memref<24x8x2048xf32, #tpu.memory_space<hbm>>, %arg4: memref<2x16xf32, #tpu.memory_space<hbm>>, %arg5: memref<24x512x512xf32, #tpu.memory_space<hbm>>, %arg6: memref<32x512xf32, #tpu.memory_space<vmem>>, %arg7: memref<32x512xf32, #tpu.memory_space<vmem>>, %arg8: memref<2048xf32, #tpu.memory_space<vmem>>, %arg9: memref<2048xf32, #tpu.memory_space<vmem>>, %arg10: memref<32xf32, #tpu.memory_space<vmem>>, %arg11: memref<2x16xf32, #tpu.memory_space<vmem>>) attributes {dimension_semantics = [#tpu.dimension_semantics<core_parallel>, #tpu.dimension_semantics<subcore_parallel>], iteration_bounds = array<i64: 2, 16>, scalar_prefetch = 0 : i64, scratch_operands = 6 : i64, tpu.core_type = #tpu.core_type<sc_vector_subcore>, window_params = [{transform_indices = #map}, {transform_indices = #map}, {transform_indices = #map1}, {transform_indices = #map}]} {
    %mul3A = arith.constant 2 : i32
    %mul3A_0 = arith.muli %arg1, %mul3A : i32
    %add3A = arith.addi %mul3A_0, %arg0 : i32
    "tpu.region"() ({
      %run_scoped3A = tpu.sem_alloc : memref<!tpu.dma_semaphore, #tpu.memory_space<semaphore_mem>>
      tpu.enqueue_dma source(%arg4 : memref<2x16xf32, #tpu.memory_space<hbm>>) target(%arg11 : memref<2x16xf32, #tpu.memory_space<vmem>>) target_semaphore(%run_scoped3A : memref<!tpu.dma_semaphore, #tpu.memory_space<semaphore_mem>>)
      tpu.wait_dma2 semaphore(%run_scoped3A : memref<!tpu.dma_semaphore, #tpu.memory_space<semaphore_mem>>) src(%arg4 : memref<2x16xf32, #tpu.memory_space<hbm>>) dst(%arg11 : memref<2x16xf32, #tpu.memory_space<vmem>>)
      tpu.yield
    }) : () -> ()
    %get3A = arith.constant 0 : i32
    %get3A_1 = arith.index_cast %get3A : i32 to index
    %get3A_2 = arith.constant 0 : index
    %get3A_3 = tpu.vector_load %arg11[%get3A_1, %get3A_2] {strides = array<i32>} : memref<2x16xf32, #tpu.memory_space<vmem>>, vector<16xf32>,
    %get3A_4 = arith.constant 1 : i32
    %get3A_5 = arith.index_cast %get3A_4 : i32 to index
    %get3A_6 = arith.constant 0 : index
    %get3A_7 = tpu.vector_load %arg11[%get3A_5, %get3A_6] {strides = array<i32>} : memref<2x16xf32, #tpu.memory_space<vmem>>, vector<16xf32>,
    %iota3A = tpu.iota {dimensions = array<i32: 0>} : vector<16xi32>
    %convert_element_type3A = arith.sitofp %iota3A : vector<16xi32> to vector<16xf32>
    %scan3A = arith.constant 0 : i32
    %scan3A_8 = arith.constant 0 : i32
    %scan3A_9 = arith.constant 12 : i32
    %scan3A_10 = arith.addi %scan3A_8, %scan3A_9 : i32
    %scan3A_11 = arith.constant 1 : i32
    %scan3A_12 = scf.for %scan3A_14 = %scan3A_8 to %scan3A_10 step %scan3A_11 iter_args(%scan3A_15 = %scan3A) -> (i32)  : i32 {
      %mul3A_16 = arith.constant 12 : i32
      %mul3A_17 = arith.muli %add3A, %mul3A_16 : i32
      %add3A_18 = arith.addi %mul3A_17, %scan3A_14 : i32
      %jit3A = arith.constant 16 : i32
      %div3A = arith.divsi %add3A_18, %jit3A : i32
      %sign3A = arith.constant 0 : i32
      %sign3A_19 = arith.cmpi sgt, %add3A_18, %sign3A : i32
      %sign3A_20 = arith.extui %sign3A_19 : i1 to i32
      %sign3A_21 = arith.constant 0 : i32
      %sign3A_22 = arith.cmpi slt, %add3A_18, %sign3A_21 : i32
      %sign3A_23 = arith.extui %sign3A_22 : i1 to i32
      %sign3A_24 = arith.subi %sign3A_20, %sign3A_23 : i32
      %sign3A_25 = arith.constant 0 : i32
      %sign3A_26 = arith.cmpi sgt, %jit3A, %sign3A_25 : i32
      %sign3A_27 = arith.extui %sign3A_26 : i1 to i32
      %sign3A_28 = arith.constant 0 : i32
      %sign3A_29 = arith.cmpi slt, %jit3A, %sign3A_28 : i32
      %sign3A_30 = arith.extui %sign3A_29 : i1 to i32
      %sign3A_31 = arith.subi %sign3A_27, %sign3A_30 : i32
      %ne3A = arith.cmpi ne, %sign3A_24, %sign3A_31 : i32
      %rem3A = arith.remsi %add3A_18, %jit3A : i32
      %ne3A_32 = arith.constant 0 : i32
      %ne3A_33 = arith.cmpi ne, %rem3A, %ne3A_32 : i32
      %and3A = arith.andi %ne3A, %ne3A_33 : i1
      %sub3A = arith.constant 1 : i32
      %sub3A_34 = arith.subi %div3A, %sub3A : i32
      %select_n3A = arith.select %and3A, %sub3A_34, %div3A : i32
      %jit3A_35 = arith.constant 16 : i32
      %eq3A = arith.constant 0 : i32
      %eq3A_36 = arith.cmpi eq, %jit3A_35, %eq3A : i32
      %jit3A_37 = arith.constant 1 : i32
      %select_n3A_38 = arith.select %eq3A_36, %jit3A_37, %jit3A_35 : i32
      %rem3A_39 = arith.remsi %add3A_18, %select_n3A_38 : i32
      %ne3A_40 = arith.constant 0 : i32
      %ne3A_41 = arith.cmpi ne, %rem3A_39, %ne3A_40 : i32
      %lt3A = arith.constant 0 : i32
      %lt3A_42 = arith.cmpi slt, %rem3A_39, %lt3A : i32
      %lt3A_43 = arith.constant 0 : i32
      %lt3A_44 = arith.cmpi slt, %select_n3A_38, %lt3A_43 : i32
      %ne3A_45 = arith.xori %lt3A_42, %lt3A_44 : i1
      %and3A_46 = arith.andi %ne3A_45, %ne3A_41 : i1
      %add3A_47 = arith.addi %rem3A_39, %select_n3A_38 : i32
      %select_n3A_48 = arith.select %and3A_46, %add3A_47, %rem3A_39 : i32
      %jit3A_49 = arith.constant 2 : i32
      %div3A_50 = arith.divsi %select_n3A_48, %jit3A_49 : i32
      %sign3A_51 = arith.constant 0 : i32
      %sign3A_52 = arith.cmpi sgt, %select_n3A_48, %sign3A_51 : i32
      %sign3A_53 = arith.extui %sign3A_52 : i1 to i32
      %sign3A_54 = arith.constant 0 : i32
      %sign3A_55 = arith.cmpi slt, %select_n3A_48, %sign3A_54 : i32
      %sign3A_56 = arith.extui %sign3A_55 : i1 to i32
      %sign3A_57 = arith.subi %sign3A_53, %sign3A_56 : i32
      %sign3A_58 = arith.constant 0 : i32
      %sign3A_59 = arith.cmpi sgt, %jit3A_49, %sign3A_58 : i32
      %sign3A_60 = arith.extui %sign3A_59 : i1 to i32
      %sign3A_61 = arith.constant 0 : i32
      %sign3A_62 = arith.cmpi slt, %jit3A_49, %sign3A_61 : i32
      %sign3A_63 = arith.extui %sign3A_62 : i1 to i32
      %sign3A_64 = arith.subi %sign3A_60, %sign3A_63 : i32
      %ne3A_65 = arith.cmpi ne, %sign3A_57, %sign3A_64 : i32
      %rem3A_66 = arith.remsi %select_n3A_48, %jit3A_49 : i32
      %ne3A_67 = arith.constant 0 : i32
      %ne3A_68 = arith.cmpi ne, %rem3A_66, %ne3A_67 : i32
      %and3A_69 = arith.andi %ne3A_65, %ne3A_68 : i1
      %sub3A_70 = arith.constant 1 : i32
      %sub3A_71 = arith.subi %div3A_50, %sub3A_70 : i32
      %select_n3A_72 = arith.select %and3A_69, %sub3A_71, %div3A_50 : i32
      %jit3A_73 = arith.constant 2 : i32
      %eq3A_74 = arith.constant 0 : i32
      %eq3A_75 = arith.cmpi eq, %jit3A_73, %eq3A_74 : i32
      %jit3A_76 = arith.constant 1 : i32
      %select_n3A_77 = arith.select %eq3A_75, %jit3A_76, %jit3A_73 : i32
      %rem3A_78 = arith.remsi %select_n3A_48, %select_n3A_77 : i32
      %ne3A_79 = arith.constant 0 : i32
      %ne3A_80 = arith.cmpi ne, %rem3A_78, %ne3A_79 : i32
      %lt3A_81 = arith.constant 0 : i32
      %lt3A_82 = arith.cmpi slt, %rem3A_78, %lt3A_81 : i32
      %lt3A_83 = arith.constant 0 : i32
      %lt3A_84 = arith.cmpi slt, %select_n3A_77, %lt3A_83 : i32
      %ne3A_85 = arith.xori %lt3A_82, %lt3A_84 : i1
      %and3A_86 = arith.andi %ne3A_85, %ne3A_80 : i1
      %add3A_87 = arith.addi %rem3A_78, %select_n3A_77 : i32
      %select_n3A_88 = arith.select %and3A_86, %add3A_87, %rem3A_78 : i32
      %eq3A_89 = arith.constant 0 : i32
      %eq3A_90 = arith.cmpi eq, %select_n3A_88, %eq3A_89 : i32
      %sub3A_91 = arith.constant 1 : i32
      %sub3A_92 = arith.subi %select_n3A_72, %sub3A_91 : i32
      %max3A = arith.constant 0 : i32
      %max3A_93 = arith.maxsi %sub3A_92, %max3A : i32
      %select_n3A_94 = arith.select %eq3A_90, %max3A_93, %select_n3A_72 : i32
      %jit3A_95 = arith.constant 2 : i32
      %eq3A_96 = arith.constant 0 : i32
      %eq3A_97 = arith.cmpi eq, %jit3A_95, %eq3A_96 : i32
      %jit3A_98 = arith.constant 1 : i32
      %select_n3A_99 = arith.select %eq3A_97, %jit3A_98, %jit3A_95 : i32
      %rem3A_100 = arith.remsi %select_n3A_48, %select_n3A_99 : i32
      %ne3A_101 = arith.constant 0 : i32
      %ne3A_102 = arith.cmpi ne, %rem3A_100, %ne3A_101 : i32
      %lt3A_103 = arith.constant 0 : i32
      %lt3A_104 = arith.cmpi slt, %rem3A_100, %lt3A_103 : i32
      %lt3A_105 = arith.constant 0 : i32
      %lt3A_106 = arith.cmpi slt, %select_n3A_99, %lt3A_105 : i32
      %ne3A_107 = arith.xori %lt3A_104, %lt3A_106 : i1
      %and3A_108 = arith.andi %ne3A_107, %ne3A_102 : i1
      %add3A_109 = arith.addi %rem3A_100, %select_n3A_99 : i32
      %select_n3A_110 = arith.select %and3A_108, %add3A_109, %rem3A_100 : i32
      %eq3A_111 = arith.constant 0 : i32
      %eq3A_112 = arith.cmpi eq, %select_n3A_110, %eq3A_111 : i32
      %add3A_113 = arith.constant 1 : i32
      %add3A_114 = arith.addi %select_n3A_72, %add3A_113 : i32
      %min3A = arith.constant 7 : i32
      %min3A_115 = arith.minsi %add3A_114, %min3A : i32
      %select_n3A_116 = arith.select %eq3A_112, %select_n3A_72, %min3A_115 : i32
      %mul3A_117 = arith.constant 32 : i32
      %mul3A_118 = arith.muli %select_n3A_48, %mul3A_117 : i32
      "tpu.region"() ({
        %run_scoped3A = tpu.sem_alloc : memref<!tpu.dma_semaphore, #tpu.memory_space<semaphore_mem>>
        %dma_start3A = arith.constant 0 : i32
        %dma_start3A_182 = tpu.memref_slice %arg2[%select_n3A, %mul3A_118, %dma_start3A] : memref<24x512x512xf32, #tpu.memory_space<hbm>> -> memref<1x32x512xf32, #tpu.memory_space<hbm>>
        %dma_start3A_183 = tpu.memref_squeeze %dma_start3A_182 : memref<1x32x512xf32, #tpu.memory_space<hbm>> -> memref<32x512xf32, #tpu.memory_space<hbm>>
        %dma_start3A_184 = arith.constant 0 : i32
        %dma_start3A_185 = tpu.memref_slice %arg2[%select_n3A, %mul3A_118, %dma_start3A_184] : memref<24x512x512xf32, #tpu.memory_space<hbm>> -> memref<1x32x512xf32, #tpu.memory_space<hbm>>
        %dma_start3A_186 = tpu.memref_squeeze %dma_start3A_185 : memref<1x32x512xf32, #tpu.memory_space<hbm>> -> memref<32x512xf32, #tpu.memory_space<hbm>>
        tpu.enqueue_dma source(%dma_start3A_186 : memref<32x512xf32, #tpu.memory_space<hbm>>) target(%arg6 : memref<32x512xf32, #tpu.memory_space<vmem>>) target_semaphore(%run_scoped3A : memref<!tpu.dma_semaphore, #tpu.memory_space<semaphore_mem>>)
        %dma_wait3A = arith.constant 0 : i32
        %dma_wait3A_187 = tpu.memref_slice %arg2[%select_n3A, %mul3A_118, %dma_wait3A] : memref<24x512x512xf32, #tpu.memory_space<hbm>> -> memref<1x32x512xf32, #tpu.memory_space<hbm>>
        %dma_wait3A_188 = tpu.memref_squeeze %dma_wait3A_187 : memref<1x32x512xf32, #tpu.memory_space<hbm>> -> memref<32x512xf32, #tpu.memory_space<hbm>>
        %dma_wait3A_189 = arith.constant 0 : i32
        %dma_wait3A_190 = tpu.memref_slice %arg2[%select_n3A, %mul3A_118, %dma_wait3A_189] : memref<24x512x512xf32, #tpu.memory_space<hbm>> -> memref<1x32x512xf32, #tpu.memory_space<hbm>>
        %dma_wait3A_191 = tpu.memref_squeeze %dma_wait3A_190 : memref<1x32x512xf32, #tpu.memory_space<hbm>> -> memref<32x512xf32, #tpu.memory_space<hbm>>
        tpu.wait_dma2 semaphore(%run_scoped3A : memref<!tpu.dma_semaphore, #tpu.memory_space<semaphore_mem>>) src(%dma_wait3A_191 : memref<32x512xf32, #tpu.memory_space<hbm>>) dst(%arg6 : memref<32x512xf32, #tpu.memory_space<vmem>>)
        tpu.yield
      }) : () -> ()
      "tpu.region"() ({
        %run_scoped3A = tpu.sem_alloc : memref<!tpu.dma_semaphore, #tpu.memory_space<semaphore_mem>>
        %dma_start3A = arith.constant 0 : i32
        %dma_start3A_182 = tpu.memref_slice %arg3[%select_n3A, %select_n3A_94, %dma_start3A] : memref<24x8x2048xf32, #tpu.memory_space<hbm>> -> memref<1x1x2048xf32, #tpu.memory_space<hbm>>
        %dma_start3A_183 = tpu.memref_squeeze %dma_start3A_182 : memref<1x1x2048xf32, #tpu.memory_space<hbm>> -> memref<2048xf32, #tpu.memory_space<hbm>>
        %dma_start3A_184 = arith.constant 0 : i32
        %dma_start3A_185 = tpu.memref_slice %arg3[%select_n3A, %select_n3A_94, %dma_start3A_184] : memref<24x8x2048xf32, #tpu.memory_space<hbm>> -> memref<1x1x2048xf32, #tpu.memory_space<hbm>>
        %dma_start3A_186 = tpu.memref_squeeze %dma_start3A_185 : memref<1x1x2048xf32, #tpu.memory_space<hbm>> -> memref<2048xf32, #tpu.memory_space<hbm>>
        tpu.enqueue_dma source(%dma_start3A_186 : memref<2048xf32, #tpu.memory_space<hbm>>) target(%arg8 : memref<2048xf32, #tpu.memory_space<vmem>>) target_semaphore(%run_scoped3A : memref<!tpu.dma_semaphore, #tpu.memory_space<semaphore_mem>>)
        %dma_wait3A = arith.constant 0 : i32
        %dma_wait3A_187 = tpu.memref_slice %arg3[%select_n3A, %select_n3A_94, %dma_wait3A] : memref<24x8x2048xf32, #tpu.memory_space<hbm>> -> memref<1x1x2048xf32, #tpu.memory_space<hbm>>
        %dma_wait3A_188 = tpu.memref_squeeze %dma_wait3A_187 : memref<1x1x2048xf32, #tpu.memory_space<hbm>> -> memref<2048xf32, #tpu.memory_space<hbm>>
        %dma_wait3A_189 = arith.constant 0 : i32
        %dma_wait3A_190 = tpu.memref_slice %arg3[%select_n3A, %select_n3A_94, %dma_wait3A_189] : memref<24x8x2048xf32, #tpu.memory_space<hbm>> -> memref<1x1x2048xf32, #tpu.memory_space<hbm>>
        %dma_wait3A_191 = tpu.memref_squeeze %dma_wait3A_190 : memref<1x1x2048xf32, #tpu.memory_space<hbm>> -> memref<2048xf32, #tpu.memory_space<hbm>>
        tpu.wait_dma2 semaphore(%run_scoped3A : memref<!tpu.dma_semaphore, #tpu.memory_space<semaphore_mem>>) src(%dma_wait3A_191 : memref<2048xf32, #tpu.memory_space<hbm>>) dst(%arg8 : memref<2048xf32, #tpu.memory_space<vmem>>)
        tpu.yield
      }) : () -> ()
      "tpu.region"() ({
        %run_scoped3A = tpu.sem_alloc : memref<!tpu.dma_semaphore, #tpu.memory_space<semaphore_mem>>
        %dma_start3A = arith.constant 0 : i32
        %dma_start3A_182 = tpu.memref_slice %arg3[%select_n3A, %select_n3A_116, %dma_start3A] : memref<24x8x2048xf32, #tpu.memory_space<hbm>> -> memref<1x1x2048xf32, #tpu.memory_space<hbm>>
        %dma_start3A_183 = tpu.memref_squeeze %dma_start3A_182 : memref<1x1x2048xf32, #tpu.memory_space<hbm>> -> memref<2048xf32, #tpu.memory_space<hbm>>
        %dma_start3A_184 = arith.constant 0 : i32
        %dma_start3A_185 = tpu.memref_slice %arg3[%select_n3A, %select_n3A_116, %dma_start3A_184] : memref<24x8x2048xf32, #tpu.memory_space<hbm>> -> memref<1x1x2048xf32, #tpu.memory_space<hbm>>
        %dma_start3A_186 = tpu.memref_squeeze %dma_start3A_185 : memref<1x1x2048xf32, #tpu.memory_space<hbm>> -> memref<2048xf32, #tpu.memory_space<hbm>>
        tpu.enqueue_dma source(%dma_start3A_186 : memref<2048xf32, #tpu.memory_space<hbm>>) target(%arg9 : memref<2048xf32, #tpu.memory_space<vmem>>) target_semaphore(%run_scoped3A : memref<!tpu.dma_semaphore, #tpu.memory_space<semaphore_mem>>)
        %dma_wait3A = arith.constant 0 : i32
        %dma_wait3A_187 = tpu.memref_slice %arg3[%select_n3A, %select_n3A_116, %dma_wait3A] : memref<24x8x2048xf32, #tpu.memory_space<hbm>> -> memref<1x1x2048xf32, #tpu.memory_space<hbm>>
        %dma_wait3A_188 = tpu.memref_squeeze %dma_wait3A_187 : memref<1x1x2048xf32, #tpu.memory_space<hbm>> -> memref<2048xf32, #tpu.memory_space<hbm>>
        %dma_wait3A_189 = arith.constant 0 : i32
        %dma_wait3A_190 = tpu.memref_slice %arg3[%select_n3A, %select_n3A_116, %dma_wait3A_189] : memref<24x8x2048xf32, #tpu.memory_space<hbm>> -> memref<1x1x2048xf32, #tpu.memory_space<hbm>>
        %dma_wait3A_191 = tpu.memref_squeeze %dma_wait3A_190 : memref<1x1x2048xf32, #tpu.memory_space<hbm>> -> memref<2048xf32, #tpu.memory_space<hbm>>
        tpu.wait_dma2 semaphore(%run_scoped3A : memref<!tpu.dma_semaphore, #tpu.memory_space<semaphore_mem>>) src(%dma_wait3A_191 : memref<2048xf32, #tpu.memory_space<hbm>>) dst(%arg9 : memref<2048xf32, #tpu.memory_space<vmem>>)
        tpu.yield
      }) : () -> ()
      %mul3A_119 = arith.constant 32 : i32
      %mul3A_120 = arith.muli %select_n3A_48, %mul3A_119 : i32
      %add3A_121 = arith.constant 0 : i32
      %add3A_122 = arith.addi %mul3A_120, %add3A_121 : i32
      %convert_element_type3A_123 = arith.sitofp %add3A_122 : i32 to f32
      %add3A_124 = vector.broadcast %convert_element_type3A_123 : f32 to vector<16xf32>
      %add3A_125 = arith.addf %convert_element_type3A, %add3A_124 : vector<16xf32>
      %add3A_126 = arith.constant 5.000000e-01 : f32
      %add3A_127 = vector.broadcast %add3A_126 : f32 to vector<16xf32>
      %add3A_128 = arith.addf %add3A_125, %add3A_127 : vector<16xf32>
      %mul3A_129 = arith.constant 1.562500e-02 : f32
      %mul3A_130 = vector.broadcast %mul3A_129 : f32 to vector<16xf32>
      %mul3A_131 = arith.mulf %add3A_128, %mul3A_130 : vector<16xf32>
      %sub3A_132 = arith.constant 5.000000e-01 : f32
      %sub3A_133 = vector.broadcast %sub3A_132 : f32 to vector<16xf32>
      %sub3A_134 = arith.subf %mul3A_131, %sub3A_133 : vector<16xf32>
      %add3A_135 = arith.constant 8.000000e+00 : f32
      %add3A_136 = vector.broadcast %add3A_135 : f32 to vector<16xf32>
      %add3A_137 = arith.addf %sub3A_134, %add3A_136 : vector<16xf32>
      %convert_element_type3A_138 = arith.fptosi %add3A_137 : vector<16xf32> to vector<16xi32>
      %convert_element_type3A_139 = arith.sitofp %convert_element_type3A_138 : vector<16xi32> to vector<16xf32>
      %sub3A_140 = arith.constant 8.000000e+00 : f32
      %sub3A_141 = vector.broadcast %sub3A_140 : f32 to vector<16xf32>
      %sub3A_142 = arith.subf %convert_element_type3A_139, %sub3A_141 : vector<16xf32>
      %sub3A_143 = arith.subf %sub3A_134, %sub3A_142 : vector<16xf32>
      %swap3A = arith.constant 0 : index
      %swap3A_144 = tpu.vector_load %arg10[%swap3A] {strides = array<i32>} : memref<32xf32, #tpu.memory_space<vmem>>, vector<16xf32>,
      tpu.vector_store %arg10[%swap3A], %sub3A_143 {strides = array<i32>} : memref<32xf32, #tpu.memory_space<vmem>>, vector<16xf32>,
      %mul3A_145 = arith.constant 32 : i32
      %mul3A_146 = arith.muli %select_n3A_48, %mul3A_145 : i32
      %add3A_147 = arith.constant 16 : i32
      %add3A_148 = arith.addi %mul3A_146, %add3A_147 : i32
      %convert_element_type3A_149 = arith.sitofp %add3A_148 : i32 to f32
      %add3A_150 = vector.broadcast %convert_element_type3A_149 : f32 to vector<16xf32>
      %add3A_151 = arith.addf %convert_element_type3A, %add3A_150 : vector<16xf32>
      %add3A_152 = arith.constant 5.000000e-01 : f32
      %add3A_153 = vector.broadcast %add3A_152 : f32 to vector<16xf32>
      %add3A_154 = arith.addf %add3A_151, %add3A_153 : vector<16xf32>
      %mul3A_155 = arith.constant 1.562500e-02 : f32
      %mul3A_156 = vector.broadcast %mul3A_155 : f32 to vector<16xf32>
      %mul3A_157 = arith.mulf %add3A_154, %mul3A_156 : vector<16xf32>
      %sub3A_158 = arith.constant 5.000000e-01 : f32
      %sub3A_159 = vector.broadcast %sub3A_158 : f32 to vector<16xf32>
      %sub3A_160 = arith.subf %mul3A_157, %sub3A_159 : vector<16xf32>
      %add3A_161 = arith.constant 8.000000e+00 : f32
      %add3A_162 = vector.broadcast %add3A_161 : f32 to vector<16xf32>
      %add3A_163 = arith.addf %sub3A_160, %add3A_162 : vector<16xf32>
      %convert_element_type3A_164 = arith.fptosi %add3A_163 : vector<16xf32> to vector<16xi32>
      %convert_element_type3A_165 = arith.sitofp %convert_element_type3A_164 : vector<16xi32> to vector<16xf32>
      %sub3A_166 = arith.constant 8.000000e+00 : f32
      %sub3A_167 = vector.broadcast %sub3A_166 : f32 to vector<16xf32>
      %sub3A_168 = arith.subf %convert_element_type3A_165, %sub3A_167 : vector<16xf32>
      %sub3A_169 = arith.subf %sub3A_160, %sub3A_168 : vector<16xf32>
      %swap3A_170 = arith.constant 16 : index
      %swap3A_171 = tpu.vector_load %arg10[%swap3A_170] {strides = array<i32>} : memref<32xf32, #tpu.memory_space<vmem>>, vector<16xf32>,
      tpu.vector_store %arg10[%swap3A_170], %sub3A_169 {strides = array<i32>} : memref<32xf32, #tpu.memory_space<vmem>>, vector<16xf32>,
      %scan3A_172 = arith.constant 0 : i32
      %scan3A_173 = arith.constant 0 : i32
      %scan3A_174 = arith.constant 16 : i32
      %scan3A_175 = arith.addi %scan3A_173, %scan3A_174 : i32
      %scan3A_176 = arith.constant 1 : i32
      %scan3A_177 = scf.for %scan3A_182 = %scan3A_173 to %scan3A_175 step %scan3A_176 iter_args(%scan3A_183 = %scan3A_172) -> (i32)  : i32 {
        %jit3A_184 = arith.constant 2 : i32
        %div3A_185 = arith.divsi %scan3A_182, %jit3A_184 : i32
        %sign3A_186 = arith.constant 0 : i32
        %sign3A_187 = arith.cmpi sgt, %scan3A_182, %sign3A_186 : i32
        %sign3A_188 = arith.extui %sign3A_187 : i1 to i32
        %sign3A_189 = arith.constant 0 : i32
        %sign3A_190 = arith.cmpi slt, %scan3A_182, %sign3A_189 : i32
        %sign3A_191 = arith.extui %sign3A_190 : i1 to i32
        %sign3A_192 = arith.subi %sign3A_188, %sign3A_191 : i32
        %sign3A_193 = arith.constant 0 : i32
        %sign3A_194 = arith.cmpi sgt, %jit3A_184, %sign3A_193 : i32
        %sign3A_195 = arith.extui %sign3A_194 : i1 to i32
        %sign3A_196 = arith.constant 0 : i32
        %sign3A_197 = arith.cmpi slt, %jit3A_184, %sign3A_196 : i32
        %sign3A_198 = arith.extui %sign3A_197 : i1 to i32
        %sign3A_199 = arith.subi %sign3A_195, %sign3A_198 : i32
        %ne3A_200 = arith.cmpi ne, %sign3A_192, %sign3A_199 : i32
        %rem3A_201 = arith.remsi %scan3A_182, %jit3A_184 : i32
        %ne3A_202 = arith.constant 0 : i32
        %ne3A_203 = arith.cmpi ne, %rem3A_201, %ne3A_202 : i32
        %and3A_204 = arith.andi %ne3A_200, %ne3A_203 : i1
        %sub3A_205 = arith.constant 1 : i32
        %sub3A_206 = arith.subi %div3A_185, %sub3A_205 : i32
        %select_n3A_207 = arith.select %and3A_204, %sub3A_206, %div3A_185 : i32
        %jit3A_208 = arith.constant 2 : i32
        %eq3A_209 = arith.constant 0 : i32
        %eq3A_210 = arith.cmpi eq, %jit3A_208, %eq3A_209 : i32
        %jit3A_211 = arith.constant 1 : i32
        %select_n3A_212 = arith.select %eq3A_210, %jit3A_211, %jit3A_208 : i32
        %rem3A_213 = arith.remsi %scan3A_182, %select_n3A_212 : i32
        %ne3A_214 = arith.constant 0 : i32
        %ne3A_215 = arith.cmpi ne, %rem3A_213, %ne3A_214 : i32
        %lt3A_216 = arith.constant 0 : i32
        %lt3A_217 = arith.cmpi slt, %rem3A_213, %lt3A_216 : i32
        %lt3A_218 = arith.constant 0 : i32
        %lt3A_219 = arith.cmpi slt, %select_n3A_212, %lt3A_218 : i32
        %ne3A_220 = arith.xori %lt3A_217, %lt3A_219 : i1
        %and3A_221 = arith.andi %ne3A_220, %ne3A_215 : i1
        %add3A_222 = arith.addi %rem3A_213, %select_n3A_212 : i32
        %select_n3A_223 = arith.select %and3A_221, %add3A_222, %rem3A_213 : i32
        %eq3A_224 = arith.constant 0 : i32
        %eq3A_225 = arith.cmpi eq, %select_n3A_223, %eq3A_224 : i32
        %sub3A_226 = arith.constant 1 : i32
        %sub3A_227 = arith.subi %select_n3A_207, %sub3A_226 : i32
        %max3A_228 = arith.constant 0 : i32
        %max3A_229 = arith.maxsi %sub3A_227, %max3A_228 : i32
        %select_n3A_230 = arith.select %eq3A_225, %max3A_229, %select_n3A_207 : i32
        %jit3A_231 = arith.constant 2 : i32
        %eq3A_232 = arith.constant 0 : i32
        %eq3A_233 = arith.cmpi eq, %jit3A_231, %eq3A_232 : i32
        %jit3A_234 = arith.constant 1 : i32
        %select_n3A_235 = arith.select %eq3A_233, %jit3A_234, %jit3A_231 : i32
        %rem3A_236 = arith.remsi %scan3A_182, %select_n3A_235 : i32
        %ne3A_237 = arith.constant 0 : i32
        %ne3A_238 = arith.cmpi ne, %rem3A_236, %ne3A_237 : i32
        %lt3A_239 = arith.constant 0 : i32
        %lt3A_240 = arith.cmpi slt, %rem3A_236, %lt3A_239 : i32
        %lt3A_241 = arith.constant 0 : i32
        %lt3A_242 = arith.cmpi slt, %select_n3A_235, %lt3A_241 : i32
        %ne3A_243 = arith.xori %lt3A_240, %lt3A_242 : i1
        %and3A_244 = arith.andi %ne3A_243, %ne3A_238 : i1
        %add3A_245 = arith.addi %rem3A_236, %select_n3A_235 : i32
        %select_n3A_246 = arith.select %and3A_244, %add3A_245, %rem3A_236 : i32
        %eq3A_247 = arith.constant 0 : i32
        %eq3A_248 = arith.cmpi eq, %select_n3A_246, %eq3A_247 : i32
        %add3A_249 = arith.constant 1 : i32
        %add3A_250 = arith.addi %select_n3A_207, %add3A_249 : i32
        %min3A_251 = arith.constant 7 : i32
        %min3A_252 = arith.minsi %add3A_250, %min3A_251 : i32
        %select_n3A_253 = arith.select %eq3A_248, %select_n3A_207, %min3A_252 : i32
        %mul3A_254 = arith.constant 256 : i32
        %mul3A_255 = arith.muli %select_n3A_230, %mul3A_254 : i32
        %broadcast_in_dim3A = vector.broadcast %mul3A_255 : i32 to vector<16xi32>
        %mul3A_256 = arith.constant 256 : i32
        %mul3A_257 = arith.muli %select_n3A_253, %mul3A_256 : i32
        %broadcast_in_dim3A_258 = vector.broadcast %mul3A_257 : i32 to vector<16xi32>
        %mul3A_259 = arith.constant 32 : i32
        %mul3A_260 = arith.muli %scan3A_182, %mul3A_259 : i32
        %convert_element_type3A_261 = arith.sitofp %mul3A_260 : i32 to f32
        %add3A_262 = vector.broadcast %convert_element_type3A_261 : f32 to vector<16xf32>
        %add3A_263 = arith.addf %convert_element_type3A, %add3A_262 : vector<16xf32>
        %add3A_264 = arith.constant 5.000000e-01 : f32
        %add3A_265 = vector.broadcast %add3A_264 : f32 to vector<16xf32>
        %add3A_266 = arith.addf %add3A_263, %add3A_265 : vector<16xf32>
        %mul3A_267 = arith.constant 1.562500e-02 : f32
        %mul3A_268 = vector.broadcast %mul3A_267 : f32 to vector<16xf32>
        %mul3A_269 = arith.mulf %add3A_266, %mul3A_268 : vector<16xf32>
        %sub3A_270 = arith.constant 5.000000e-01 : f32
        %sub3A_271 = vector.broadcast %sub3A_270 : f32 to vector<16xf32>
        %sub3A_272 = arith.subf %mul3A_269, %sub3A_271 : vector<16xf32>
        %add3A_273 = arith.constant 8.000000e+00 : f32
        %add3A_274 = vector.broadcast %add3A_273 : f32 to vector<16xf32>
        %add3A_275 = arith.addf %sub3A_272, %add3A_274 : vector<16xf32>
        %convert_element_type3A_276 = arith.fptosi %add3A_275 : vector<16xf32> to vector<16xi32>
        %convert_element_type3A_277 = arith.sitofp %convert_element_type3A_276 : vector<16xi32> to vector<16xf32>
        %sub3A_278 = arith.constant 8.000000e+00 : f32
        %sub3A_279 = vector.broadcast %sub3A_278 : f32 to vector<16xf32>
        %sub3A_280 = arith.subf %convert_element_type3A_277, %sub3A_279 : vector<16xf32>
        %sub3A_281 = arith.subf %sub3A_272, %sub3A_280 : vector<16xf32>
        %add3A_282 = arith.constant 1.650000e+01 : f32
        %add3A_283 = vector.broadcast %add3A_282 : f32 to vector<16xf32>
        %add3A_284 = arith.addf %add3A_263, %add3A_283 : vector<16xf32>
        %mul3A_285 = arith.constant 1.562500e-02 : f32
        %mul3A_286 = vector.broadcast %mul3A_285 : f32 to vector<16xf32>
        %mul3A_287 = arith.mulf %add3A_284, %mul3A_286 : vector<16xf32>
        %sub3A_288 = arith.constant 5.000000e-01 : f32
        %sub3A_289 = vector.broadcast %sub3A_288 : f32 to vector<16xf32>
        %sub3A_290 = arith.subf %mul3A_287, %sub3A_289 : vector<16xf32>
        %add3A_291 = arith.constant 8.000000e+00 : f32
        %add3A_292 = vector.broadcast %add3A_291 : f32 to vector<16xf32>
        %add3A_293 = arith.addf %sub3A_290, %add3A_292 : vector<16xf32>
        %convert_element_type3A_294 = arith.fptosi %add3A_293 : vector<16xf32> to vector<16xi32>
        %convert_element_type3A_295 = arith.sitofp %convert_element_type3A_294 : vector<16xi32> to vector<16xf32>
        %sub3A_296 = arith.constant 8.000000e+00 : f32
        %sub3A_297 = vector.broadcast %sub3A_296 : f32 to vector<16xf32>
        %sub3A_298 = arith.subf %convert_element_type3A_295, %sub3A_297 : vector<16xf32>
        %sub3A_299 = arith.subf %sub3A_290, %sub3A_298 : vector<16xf32>
        %scan3A_300 = arith.constant 0 : i32
        %scan3A_301 = arith.constant 0 : i32
        %scan3A_302 = arith.constant 32 : i32
        %scan3A_303 = arith.addi %scan3A_301, %scan3A_302 : i32
        %scan3A_304 = arith.constant 1 : i32
        %scan3A_305 = scf.for %scan3A_308 = %scan3A_301 to %scan3A_303 step %scan3A_304 iter_args(%scan3A_309 = %scan3A_300) -> (i32)  : i32 {
          %broadcast_in_dim3A_310 = vector.broadcast %scan3A_308 : i32 to vector<16xi32>
          %gather3A = tpu.vector_load_idx %arg10[%broadcast_in_dim3A_310] : memref<32xf32, #tpu.memory_space<vmem>>[vector<16xi32>], vector<16xf32>,
          %mul3A_311 = arith.constant 32 : i32
          %mul3A_312 = arith.muli %scan3A_182, %mul3A_311 : i32
          %add3A_313 = arith.constant 0 : i32
          %add3A_314 = arith.addi %mul3A_312, %add3A_313 : i32
          %get3A_315 = arith.index_cast %scan3A_308 : i32 to index
          %get3A_316 = arith.index_cast %add3A_314 : i32 to index
          %get3A_317 = tpu.vector_load %arg6[%get3A_315, %get3A_316] {strides = array<i32>} : memref<32x512xf32, #tpu.memory_space<vmem>>, vector<16xf32>,
          %sub3A_318 = arith.subf %get3A_317, %get3A_3 : vector<16xf32>
          %mul3A_319 = arith.mulf %sub3A_318, %get3A_7 : vector<16xf32>
          %add3A_320 = arith.constant 5.000000e-01 : f32
          %add3A_321 = vector.broadcast %add3A_320 : f32 to vector<16xf32>
          %add3A_322 = arith.addf %mul3A_319, %add3A_321 : vector<16xf32>
          %convert_element_type3A_323 = arith.fptosi %add3A_322 : vector<16xf32> to vector<16xi32>
          %min3A_324 = arith.constant 255 : i32
          %min3A_325 = vector.broadcast %min3A_324 : i32 to vector<16xi32>
          %min3A_326 = arith.minsi %convert_element_type3A_323, %min3A_325 : vector<16xi32>
          %add3A_327 = arith.addi %broadcast_in_dim3A, %min3A_326 : vector<16xi32>
          %gather3A_328 = tpu.vector_load_idx %arg8[%add3A_327] : memref<2048xf32, #tpu.memory_space<vmem>>[vector<16xi32>], vector<16xf32>,
          %add3A_329 = arith.addi %broadcast_in_dim3A_258, %min3A_326 : vector<16xi32>
          %gather3A_330 = tpu.vector_load_idx %arg8[%add3A_329] : memref<2048xf32, #tpu.memory_space<vmem>>[vector<16xi32>], vector<16xf32>,
          %add3A_331 = arith.addi %broadcast_in_dim3A, %min3A_326 : vector<16xi32>
          %gather3A_332 = tpu.vector_load_idx %arg9[%add3A_331] : memref<2048xf32, #tpu.memory_space<vmem>>[vector<16xi32>], vector<16xf32>,
          %add3A_333 = arith.addi %broadcast_in_dim3A_258, %min3A_326 : vector<16xi32>
          %gather3A_334 = tpu.vector_load_idx %arg9[%add3A_333] : memref<2048xf32, #tpu.memory_space<vmem>>[vector<16xi32>], vector<16xf32>,
          %sub3A_335 = arith.subf %gather3A_330, %gather3A_328 : vector<16xf32>
          %mul3A_336 = arith.mulf %sub3A_281, %sub3A_335 : vector<16xf32>
          %add3A_337 = arith.addf %gather3A_328, %mul3A_336 : vector<16xf32>
          %sub3A_338 = arith.subf %gather3A_334, %gather3A_332 : vector<16xf32>
          %mul3A_339 = arith.mulf %sub3A_281, %sub3A_338 : vector<16xf32>
          %add3A_340 = arith.addf %gather3A_332, %mul3A_339 : vector<16xf32>
          %sub3A_341 = arith.subf %add3A_340, %add3A_337 : vector<16xf32>
          %mul3A_342 = arith.mulf %gather3A, %sub3A_341 : vector<16xf32>
          %add3A_343 = arith.addf %add3A_337, %mul3A_342 : vector<16xf32>
          %swap3A_344 = arith.index_cast %scan3A_308 : i32 to index
          %swap3A_345 = arith.index_cast %add3A_314 : i32 to index
          %swap3A_346 = tpu.vector_load %arg7[%swap3A_344, %swap3A_345] {strides = array<i32>} : memref<32x512xf32, #tpu.memory_space<vmem>>, vector<16xf32>,
          tpu.vector_store %arg7[%swap3A_344, %swap3A_345], %add3A_343 {strides = array<i32>} : memref<32x512xf32, #tpu.memory_space<vmem>>, vector<16xf32>,
          %mul3A_347 = arith.constant 32 : i32
          %mul3A_348 = arith.muli %scan3A_182, %mul3A_347 : i32
          %add3A_349 = arith.constant 16 : i32
          %add3A_350 = arith.addi %mul3A_348, %add3A_349 : i32
          %get3A_351 = arith.index_cast %scan3A_308 : i32 to index
          %get3A_352 = arith.index_cast %add3A_350 : i32 to index
          %get3A_353 = tpu.vector_load %arg6[%get3A_351, %get3A_352] {strides = array<i32>} : memref<32x512xf32, #tpu.memory_space<vmem>>, vector<16xf32>,
          %sub3A_354 = arith.subf %get3A_353, %get3A_3 : vector<16xf32>
          %mul3A_355 = arith.mulf %sub3A_354, %get3A_7 : vector<16xf32>
          %add3A_356 = arith.constant 5.000000e-01 : f32
          %add3A_357 = vector.broadcast %add3A_356 : f32 to vector<16xf32>
          %add3A_358 = arith.addf %mul3A_355, %add3A_357 : vector<16xf32>
          %convert_element_type3A_359 = arith.fptosi %add3A_358 : vector<16xf32> to vector<16xi32>
          %min3A_360 = arith.constant 255 : i32
          %min3A_361 = vector.broadcast %min3A_360 : i32 to vector<16xi32>
          %min3A_362 = arith.minsi %convert_element_type3A_359, %min3A_361 : vector<16xi32>
          %add3A_363 = arith.addi %broadcast_in_dim3A, %min3A_362 : vector<16xi32>
          %gather3A_364 = tpu.vector_load_idx %arg8[%add3A_363] : memref<2048xf32, #tpu.memory_space<vmem>>[vector<16xi32>], vector<16xf32>,
          %add3A_365 = arith.addi %broadcast_in_dim3A_258, %min3A_362 : vector<16xi32>
          %gather3A_366 = tpu.vector_load_idx %arg8[%add3A_365] : memref<2048xf32, #tpu.memory_space<vmem>>[vector<16xi32>], vector<16xf32>,
          %add3A_367 = arith.addi %broadcast_in_dim3A, %min3A_362 : vector<16xi32>
          %gather3A_368 = tpu.vector_load_idx %arg9[%add3A_367] : memref<2048xf32, #tpu.memory_space<vmem>>[vector<16xi32>], vector<16xf32>,
          %add3A_369 = arith.addi %broadcast_in_dim3A_258, %min3A_362 : vector<16xi32>
          %gather3A_370 = tpu.vector_load_idx %arg9[%add3A_369] : memref<2048xf32, #tpu.memory_space<vmem>>[vector<16xi32>], vector<16xf32>,
          %sub3A_371 = arith.subf %gather3A_366, %gather3A_364 : vector<16xf32>
          %mul3A_372 = arith.mulf %sub3A_299, %sub3A_371 : vector<16xf32>
          %add3A_373 = arith.addf %gather3A_364, %mul3A_372 : vector<16xf32>
          %sub3A_374 = arith.subf %gather3A_370, %gather3A_368 : vector<16xf32>
          %mul3A_375 = arith.mulf %sub3A_299, %sub3A_374 : vector<16xf32>
          %add3A_376 = arith.addf %gather3A_368, %mul3A_375 : vector<16xf32>
          %sub3A_377 = arith.subf %add3A_376, %add3A_373 : vector<16xf32>
          %mul3A_378 = arith.mulf %gather3A, %sub3A_377 : vector<16xf32>
          %add3A_379 = arith.addf %add3A_373, %mul3A_378 : vector<16xf32>
          %swap3A_380 = arith.index_cast %scan3A_308 : i32 to index
          %swap3A_381 = arith.index_cast %add3A_350 : i32 to index
          %swap3A_382 = tpu.vector_load %arg7[%swap3A_380, %swap3A_381] {strides = array<i32>} : memref<32x512xf32, #tpu.memory_space<vmem>>, vector<16xf32>,
          tpu.vector_store %arg7[%swap3A_380, %swap3A_381], %add3A_379 {strides = array<i32>} : memref<32x512xf32, #tpu.memory_space<vmem>>, vector<16xf32>,
          %scan3A_383 = arith.constant 0 : i32
          scf.yield %scan3A_383 : i32
        }
        %scan3A_306 = arith.constant 32 : i32
        %scan3A_307 = arith.constant 0 : i32
        scf.yield %scan3A_307 : i32
      }
      %scan3A_178 = arith.constant 16 : i32
      %mul3A_179 = arith.constant 32 : i32
      %mul3A_180 = arith.muli %select_n3A_48, %mul3A_179 : i32
      "tpu.region"() ({
        %run_scoped3A = tpu.sem_alloc : memref<!tpu.dma_semaphore, #tpu.memory_space<semaphore_mem>>
        %dma_start3A = arith.constant 0 : i32
        %dma_start3A_182 = tpu.memref_slice %arg5[%select_n3A, %mul3A_180, %dma_start3A] : memref<24x512x512xf32, #tpu.memory_space<hbm>> -> memref<1x32x512xf32, #tpu.memory_space<hbm>>
        %dma_start3A_183 = tpu.memref_squeeze %dma_start3A_182 : memref<1x32x512xf32, #tpu.memory_space<hbm>> -> memref<32x512xf32, #tpu.memory_space<hbm>>
        %dma_start3A_184 = arith.constant 0 : i32
        %dma_start3A_185 = tpu.memref_slice %arg5[%select_n3A, %mul3A_180, %dma_start3A_184] : memref<24x512x512xf32, #tpu.memory_space<hbm>> -> memref<1x32x512xf32, #tpu.memory_space<hbm>>
        %dma_start3A_186 = tpu.memref_squeeze %dma_start3A_185 : memref<1x32x512xf32, #tpu.memory_space<hbm>> -> memref<32x512xf32, #tpu.memory_space<hbm>>
        tpu.enqueue_dma source(%arg7 : memref<32x512xf32, #tpu.memory_space<vmem>>) target(%dma_start3A_186 : memref<32x512xf32, #tpu.memory_space<hbm>>) target_semaphore(%run_scoped3A : memref<!tpu.dma_semaphore, #tpu.memory_space<semaphore_mem>>)
        %dma_wait3A = arith.constant 0 : i32
        %dma_wait3A_187 = tpu.memref_slice %arg5[%select_n3A, %mul3A_180, %dma_wait3A] : memref<24x512x512xf32, #tpu.memory_space<hbm>> -> memref<1x32x512xf32, #tpu.memory_space<hbm>>
        %dma_wait3A_188 = tpu.memref_squeeze %dma_wait3A_187 : memref<1x32x512xf32, #tpu.memory_space<hbm>> -> memref<32x512xf32, #tpu.memory_space<hbm>>
        %dma_wait3A_189 = arith.constant 0 : i32
        %dma_wait3A_190 = tpu.memref_slice %arg5[%select_n3A, %mul3A_180, %dma_wait3A_189] : memref<24x512x512xf32, #tpu.memory_space<hbm>> -> memref<1x32x512xf32, #tpu.memory_space<hbm>>
        %dma_wait3A_191 = tpu.memref_squeeze %dma_wait3A_190 : memref<1x32x512xf32, #tpu.memory_space<hbm>> -> memref<32x512xf32, #tpu.memory_space<hbm>>
        tpu.wait_dma2 semaphore(%run_scoped3A : memref<!tpu.dma_semaphore, #tpu.memory_space<semaphore_mem>>) src(%arg7 : memref<32x512xf32, #tpu.memory_space<vmem>>) dst(%dma_wait3A_191 : memref<32x512xf32, #tpu.memory_space<hbm>>)
        tpu.yield
      }) : () -> ()
      %scan3A_181 = arith.constant 0 : i32
      scf.yield %scan3A_181 : i32
    }
    %scan3A_13 = arith.constant 12 : i32
    return
  }
}

#map = affine_map<(d0, d1) -> (0, 0, 0)>
#map1 = affine_map<(d0, d1) -> (0, 0)>
module attributes {stable_mosaic.version = 14 : i64} {
  func.func @_histlut_body(%arg0: i32, %arg1: i32, %arg2: memref<24x512x512xf32, #tpu.memory_space<hbm>>, %arg3: memref<2x16xf32, #tpu.memory_space<hbm>>, %arg4: memref<1536x256xf32, #tpu.memory_space<hbm>>, %arg5: memref<64x512xf32, #tpu.memory_space<vmem>>, %arg6: memref<4096xf32, #tpu.memory_space<vmem>>, %arg7: memref<256xf32, #tpu.memory_space<vmem>>, %arg8: memref<2x16xf32, #tpu.memory_space<vmem>>) attributes {dimension_semantics = [#tpu.dimension_semantics<core_parallel>, #tpu.dimension_semantics<subcore_parallel>], iteration_bounds = array<i64: 2, 16>, scalar_prefetch = 0 : i64, scratch_operands = 4 : i64, tpu.core_type = #tpu.core_type<sc_vector_subcore>, window_params = [{transform_indices = #map}, {transform_indices = #map1}, {transform_indices = #map1}]} {
    %mul3A = arith.constant 2 : i32
    %mul3A_0 = arith.muli %arg1, %mul3A : i32
    %add3A = arith.addi %mul3A_0, %arg0 : i32
    "tpu.region"() ({
      %run_scoped3A = tpu.sem_alloc : memref<!tpu.dma_semaphore, #tpu.memory_space<semaphore_mem>>
      tpu.enqueue_dma source(%arg3 : memref<2x16xf32, #tpu.memory_space<hbm>>) target(%arg8 : memref<2x16xf32, #tpu.memory_space<vmem>>) target_semaphore(%run_scoped3A : memref<!tpu.dma_semaphore, #tpu.memory_space<semaphore_mem>>)
      tpu.wait_dma2 semaphore(%run_scoped3A : memref<!tpu.dma_semaphore, #tpu.memory_space<semaphore_mem>>) src(%arg3 : memref<2x16xf32, #tpu.memory_space<hbm>>) dst(%arg8 : memref<2x16xf32, #tpu.memory_space<vmem>>)
      tpu.yield
    }) : () -> ()
    %get3A = arith.constant 0 : i32
    %get3A_1 = arith.index_cast %get3A : i32 to index
    %get3A_2 = arith.constant 0 : index
    %get3A_3 = tpu.vector_load %arg8[%get3A_1, %get3A_2] {strides = array<i32>} : memref<2x16xf32, #tpu.memory_space<vmem>>, vector<16xf32>,
    %get3A_4 = arith.constant 1 : i32
    %get3A_5 = arith.index_cast %get3A_4 : i32 to index
    %get3A_6 = arith.constant 0 : index
    %get3A_7 = tpu.vector_load %arg8[%get3A_5, %get3A_6] {strides = array<i32>} : memref<2x16xf32, #tpu.memory_space<vmem>>, vector<16xf32>,
    %iota3A = tpu.iota {dimensions = array<i32: 0>} : vector<16xi32>
    %mul3A_8 = arith.constant 256 : i32
    %mul3A_9 = vector.broadcast %mul3A_8 : i32 to vector<16xi32>
    %mul3A_10 = arith.muli %iota3A, %mul3A_9 : vector<16xi32>
    %broadcast_in_dim3A = arith.constant 0.000000e+00 : f32
    %broadcast_in_dim3A_11 = vector.broadcast %broadcast_in_dim3A : f32 to vector<16xf32>
    %broadcast_in_dim3A_12 = arith.constant 1.000000e+00 : f32
    %broadcast_in_dim3A_13 = vector.broadcast %broadcast_in_dim3A_12 : f32 to vector<16xf32>
    %scan3A = arith.constant 0 : i32
    %scan3A_14 = arith.constant 0 : i32
    %scan3A_15 = arith.constant 6 : i32
    %scan3A_16 = arith.addi %scan3A_14, %scan3A_15 : i32
    %scan3A_17 = arith.constant 1 : i32
    %scan3A_18 = scf.for %scan3A_20 = %scan3A_14 to %scan3A_16 step %scan3A_17 iter_args(%scan3A_21 = %scan3A) -> (i32)  : i32 {
      %mul3A_22 = arith.constant 6 : i32
      %mul3A_23 = arith.muli %add3A, %mul3A_22 : i32
      %add3A_24 = arith.addi %mul3A_23, %scan3A_20 : i32
      %jit3A = arith.constant 8 : i32
      %div3A = arith.divsi %add3A_24, %jit3A : i32
      %sign3A = arith.constant 0 : i32
      %sign3A_25 = arith.cmpi sgt, %add3A_24, %sign3A : i32
      %sign3A_26 = arith.extui %sign3A_25 : i1 to i32
      %sign3A_27 = arith.constant 0 : i32
      %sign3A_28 = arith.cmpi slt, %add3A_24, %sign3A_27 : i32
      %sign3A_29 = arith.extui %sign3A_28 : i1 to i32
      %sign3A_30 = arith.subi %sign3A_26, %sign3A_29 : i32
      %sign3A_31 = arith.constant 0 : i32
      %sign3A_32 = arith.cmpi sgt, %jit3A, %sign3A_31 : i32
      %sign3A_33 = arith.extui %sign3A_32 : i1 to i32
      %sign3A_34 = arith.constant 0 : i32
      %sign3A_35 = arith.cmpi slt, %jit3A, %sign3A_34 : i32
      %sign3A_36 = arith.extui %sign3A_35 : i1 to i32
      %sign3A_37 = arith.subi %sign3A_33, %sign3A_36 : i32
      %ne3A = arith.cmpi ne, %sign3A_30, %sign3A_37 : i32
      %rem3A = arith.remsi %add3A_24, %jit3A : i32
      %ne3A_38 = arith.constant 0 : i32
      %ne3A_39 = arith.cmpi ne, %rem3A, %ne3A_38 : i32
      %and3A = arith.andi %ne3A, %ne3A_39 : i1
      %sub3A = arith.constant 1 : i32
      %sub3A_40 = arith.subi %div3A, %sub3A : i32
      %select_n3A = arith.select %and3A, %sub3A_40, %div3A : i32
      %jit3A_41 = arith.constant 8 : i32
      %eq3A = arith.constant 0 : i32
      %eq3A_42 = arith.cmpi eq, %jit3A_41, %eq3A : i32
      %jit3A_43 = arith.constant 1 : i32
      %select_n3A_44 = arith.select %eq3A_42, %jit3A_43, %jit3A_41 : i32
      %rem3A_45 = arith.remsi %add3A_24, %select_n3A_44 : i32
      %ne3A_46 = arith.constant 0 : i32
      %ne3A_47 = arith.cmpi ne, %rem3A_45, %ne3A_46 : i32
      %lt3A = arith.constant 0 : i32
      %lt3A_48 = arith.cmpi slt, %rem3A_45, %lt3A : i32
      %lt3A_49 = arith.constant 0 : i32
      %lt3A_50 = arith.cmpi slt, %select_n3A_44, %lt3A_49 : i32
      %ne3A_51 = arith.xori %lt3A_48, %lt3A_50 : i1
      %and3A_52 = arith.andi %ne3A_51, %ne3A_47 : i1
      %add3A_53 = arith.addi %rem3A_45, %select_n3A_44 : i32
      %select_n3A_54 = arith.select %and3A_52, %add3A_53, %rem3A_45 : i32
      %mul3A_55 = arith.constant 64 : i32
      %mul3A_56 = arith.muli %select_n3A_54, %mul3A_55 : i32
      "tpu.region"() ({
        %run_scoped3A = tpu.sem_alloc : memref<!tpu.dma_semaphore, #tpu.memory_space<semaphore_mem>>
        %dma_start3A = arith.constant 0 : i32
        %dma_start3A_65 = tpu.memref_slice %arg2[%select_n3A, %mul3A_56, %dma_start3A] : memref<24x512x512xf32, #tpu.memory_space<hbm>> -> memref<1x64x512xf32, #tpu.memory_space<hbm>>
        %dma_start3A_66 = tpu.memref_squeeze %dma_start3A_65 : memref<1x64x512xf32, #tpu.memory_space<hbm>> -> memref<64x512xf32, #tpu.memory_space<hbm>>
        %dma_start3A_67 = arith.constant 0 : i32
        %dma_start3A_68 = tpu.memref_slice %arg2[%select_n3A, %mul3A_56, %dma_start3A_67] : memref<24x512x512xf32, #tpu.memory_space<hbm>> -> memref<1x64x512xf32, #tpu.memory_space<hbm>>
        %dma_start3A_69 = tpu.memref_squeeze %dma_start3A_68 : memref<1x64x512xf32, #tpu.memory_space<hbm>> -> memref<64x512xf32, #tpu.memory_space<hbm>>
        tpu.enqueue_dma source(%dma_start3A_69 : memref<64x512xf32, #tpu.memory_space<hbm>>) target(%arg5 : memref<64x512xf32, #tpu.memory_space<vmem>>) target_semaphore(%run_scoped3A : memref<!tpu.dma_semaphore, #tpu.memory_space<semaphore_mem>>)
        %dma_wait3A = arith.constant 0 : i32
        %dma_wait3A_70 = tpu.memref_slice %arg2[%select_n3A, %mul3A_56, %dma_wait3A] : memref<24x512x512xf32, #tpu.memory_space<hbm>> -> memref<1x64x512xf32, #tpu.memory_space<hbm>>
        %dma_wait3A_71 = tpu.memref_squeeze %dma_wait3A_70 : memref<1x64x512xf32, #tpu.memory_space<hbm>> -> memref<64x512xf32, #tpu.memory_space<hbm>>
        %dma_wait3A_72 = arith.constant 0 : i32
        %dma_wait3A_73 = tpu.memref_slice %arg2[%select_n3A, %mul3A_56, %dma_wait3A_72] : memref<24x512x512xf32, #tpu.memory_space<hbm>> -> memref<1x64x512xf32, #tpu.memory_space<hbm>>
        %dma_wait3A_74 = tpu.memref_squeeze %dma_wait3A_73 : memref<1x64x512xf32, #tpu.memory_space<hbm>> -> memref<64x512xf32, #tpu.memory_space<hbm>>
        tpu.wait_dma2 semaphore(%run_scoped3A : memref<!tpu.dma_semaphore, #tpu.memory_space<semaphore_mem>>) src(%dma_wait3A_74 : memref<64x512xf32, #tpu.memory_space<hbm>>) dst(%arg5 : memref<64x512xf32, #tpu.memory_space<vmem>>)
        tpu.yield
      }) : () -> ()
      %scan3A_57 = arith.constant 0 : i32
      %scan3A_58 = arith.constant 0 : i32
      %scan3A_59 = arith.constant 8 : i32
      %scan3A_60 = arith.addi %scan3A_58, %scan3A_59 : i32
      %scan3A_61 = arith.constant 1 : i32
      %scan3A_62 = scf.for %scan3A_65 = %scan3A_58 to %scan3A_60 step %scan3A_61 iter_args(%scan3A_66 = %scan3A_57) -> (i32)  : i32 {
        %scan3A_67 = arith.constant 0 : i32
        %scan3A_68 = arith.constant 0 : i32
        %scan3A_69 = arith.constant 256 : i32
        %scan3A_70 = arith.addi %scan3A_68, %scan3A_69 : i32
        %scan3A_71 = arith.constant 1 : i32
        %scan3A_72 = scf.for %scan3A_108 = %scan3A_68 to %scan3A_70 step %scan3A_71 iter_args(%scan3A_109 = %scan3A_67) -> (i32)  : i32 {
          %mul3A_110 = arith.constant 16 : i32
          %mul3A_111 = arith.muli %scan3A_108, %mul3A_110 : i32
          %swap3A = arith.index_cast %mul3A_111 : i32 to index
          %swap3A_112 = tpu.vector_load %arg6[%swap3A] {strides = array<i32>} : memref<4096xf32, #tpu.memory_space<vmem>>, vector<16xf32>,
          tpu.vector_store %arg6[%swap3A], %broadcast_in_dim3A_11 {strides = array<i32>} : memref<4096xf32, #tpu.memory_space<vmem>>, vector<16xf32>,
          %scan3A_113 = arith.constant 0 : i32
          scf.yield %scan3A_113 : i32
        }
        %scan3A_73 = arith.constant 256 : i32
        %scan3A_74 = arith.constant 0 : i32
        %scan3A_75 = arith.constant 0 : i32
        %scan3A_76 = arith.constant 64 : i32
        %scan3A_77 = arith.addi %scan3A_75, %scan3A_76 : i32
        %scan3A_78 = arith.constant 1 : i32
        %scan3A_79 = scf.for %scan3A_108 = %scan3A_75 to %scan3A_77 step %scan3A_78 iter_args(%scan3A_109 = %scan3A_74) -> (i32)  : i32 {
          %scan3A_110 = arith.constant 0 : i32
          %scan3A_111 = arith.constant 0 : i32
          %scan3A_112 = arith.constant 4 : i32
          %scan3A_113 = arith.addi %scan3A_111, %scan3A_112 : i32
          %scan3A_114 = arith.constant 1 : i32
          %scan3A_115 = scf.for %scan3A_117 = %scan3A_111 to %scan3A_113 step %scan3A_114 iter_args(%scan3A_118 = %scan3A_110) -> (i32)  : i32 {
            %mul3A_119 = arith.constant 64 : i32
            %mul3A_120 = arith.muli %scan3A_65, %mul3A_119 : i32
            %mul3A_121 = arith.constant 16 : i32
            %mul3A_122 = arith.muli %scan3A_117, %mul3A_121 : i32
            %add3A_123 = arith.addi %mul3A_120, %mul3A_122 : i32
            %get3A_124 = arith.index_cast %scan3A_108 : i32 to index
            %get3A_125 = arith.index_cast %add3A_123 : i32 to index
            %get3A_126 = tpu.vector_load %arg5[%get3A_124, %get3A_125] {strides = array<i32>} : memref<64x512xf32, #tpu.memory_space<vmem>>, vector<16xf32>,
            %sub3A_127 = arith.subf %get3A_126, %get3A_3 : vector<16xf32>
            %mul3A_128 = arith.mulf %sub3A_127, %get3A_7 : vector<16xf32>
            %add3A_129 = arith.constant 5.000000e-01 : f32
            %add3A_130 = vector.broadcast %add3A_129 : f32 to vector<16xf32>
            %add3A_131 = arith.addf %mul3A_128, %add3A_130 : vector<16xf32>
            %convert_element_type3A = arith.fptosi %add3A_131 : vector<16xf32> to vector<16xi32>
            %min3A = arith.constant 255 : i32
            %min3A_132 = vector.broadcast %min3A : i32 to vector<16xi32>
            %min3A_133 = arith.minsi %convert_element_type3A, %min3A_132 : vector<16xi32>
            %add3A_134 = arith.addi %mul3A_10, %min3A_133 : vector<16xi32>
            tpu.vector_store_idx %arg6[%add3A_134], %broadcast_in_dim3A_13 {add = true} : memref<4096xf32, #tpu.memory_space<vmem>>[vector<16xi32>], vector<16xf32>,
            %scan3A_135 = arith.constant 0 : i32
            scf.yield %scan3A_135 : i32
          }
          %scan3A_116 = arith.constant 4 : i32
          scf.yield %scan3A_115 : i32
        }
        %scan3A_80 = arith.constant 64 : i32
        %scan3A_81 = arith.constant 0 : i32
        %scan3A_82 = arith.constant 0 : i32
        %scan3A_83 = arith.constant 16 : i32
        %scan3A_84 = arith.addi %scan3A_82, %scan3A_83 : i32
        %scan3A_85 = arith.constant 1 : i32
        %scan3A_86 = scf.for %scan3A_108 = %scan3A_82 to %scan3A_84 step %scan3A_85 iter_args(%scan3A_109 = %scan3A_81) -> (i32)  : i32 {
          %scan3A_110 = arith.constant 0 : i32
          %scan3A_111 = arith.constant 16 : i32
          %scan3A_112 = arith.addi %scan3A_110, %scan3A_111 : i32
          %scan3A_113 = arith.constant 1 : i32
          %scan3A_114 = scf.for %scan3A_120 = %scan3A_110 to %scan3A_112 step %scan3A_113 iter_args(%scan3A_121 = %broadcast_in_dim3A_11) -> (vector<16xf32>)  : i32 {
            %mul3A_122 = arith.constant 256 : i32
            %mul3A_123 = arith.muli %scan3A_120, %mul3A_122 : i32
            %mul3A_124 = arith.constant 16 : i32
            %mul3A_125 = arith.muli %scan3A_108, %mul3A_124 : i32
            %add3A_126 = arith.addi %mul3A_123, %mul3A_125 : i32
            %get3A_127 = arith.index_cast %add3A_126 : i32 to index
            %get3A_128 = tpu.vector_load %arg6[%get3A_127] {strides = array<i32>} : memref<4096xf32, #tpu.memory_space<vmem>>, vector<16xf32>,
            %add3A_129 = arith.addf %scan3A_121, %get3A_128 : vector<16xf32>
            scf.yield %add3A_129 : vector<16xf32>
          }
          %scan3A_115 = arith.constant 16 : i32
          %mul3A_116 = arith.constant 16 : i32
          %mul3A_117 = arith.muli %scan3A_108, %mul3A_116 : i32
          %swap3A = arith.index_cast %mul3A_117 : i32 to index
          %swap3A_118 = tpu.vector_load %arg7[%swap3A] {strides = array<i32>} : memref<256xf32, #tpu.memory_space<vmem>>, vector<16xf32>,
          tpu.vector_store %arg7[%swap3A], %scan3A_114 {strides = array<i32>} : memref<256xf32, #tpu.memory_space<vmem>>, vector<16xf32>,
          %scan3A_119 = arith.constant 0 : i32
          scf.yield %scan3A_119 : i32
        }
        %scan3A_87 = arith.constant 16 : i32
        %scan3A_88 = arith.constant 0.000000e+00 : f32
        %scan3A_89 = arith.constant 0 : i32
        %scan3A_90 = arith.constant 16 : i32
        %scan3A_91 = arith.addi %scan3A_89, %scan3A_90 : i32
        %scan3A_92 = arith.constant 1 : i32
        %scan3A_93 = scf.for %scan3A_108 = %scan3A_89 to %scan3A_91 step %scan3A_92 iter_args(%scan3A_109 = %scan3A_88) -> (f32)  : i32 {
          %mul3A_110 = arith.constant 16 : i32
          %mul3A_111 = arith.muli %scan3A_108, %mul3A_110 : i32
          %get3A_112 = arith.index_cast %mul3A_111 : i32 to index
          %get3A_113 = tpu.vector_load %arg7[%get3A_112] {strides = array<i32>} : memref<256xf32, #tpu.memory_space<vmem>>, vector<16xf32>,
          %min3A = arith.constant 4.000000e+01 : f32
          %min3A_114 = vector.broadcast %min3A : f32 to vector<16xf32>
          %min3A_115 = arith.minimumf %get3A_113, %min3A_114 : vector<16xf32>
          %sub3A_116 = arith.subf %get3A_113, %min3A_115 : vector<16xf32>
          %reduce_sum3A = arith.constant true
          %reduce_sum3A_117 = vector.broadcast %reduce_sum3A : i1 to vector<16xi1>
          %reduce_sum3A_118 = tpu.scan <sum>, %sub3A_116 masked %reduce_sum3A_117 : vector<16xf32>, vector<16xi1> -> vector<16xf32>
          %reduce_sum3A_119 = vector.extract %reduce_sum3A_118[15] : f32 from vector<16xf32>
          %add3A_120 = arith.addf %scan3A_109, %reduce_sum3A_119 : f32
          scf.yield %add3A_120 : f32
        }
        %scan3A_94 = arith.constant 16 : i32
        %mul3A_95 = arith.constant 3.906250e-03 : f32
        %mul3A_96 = arith.mulf %scan3A_93, %mul3A_95 : f32
        %scan3A_97 = arith.constant 0.000000e+00 : f32
        %scan3A_98 = arith.constant 0 : i32
        %scan3A_99 = arith.constant 16 : i32
        %scan3A_100 = arith.addi %scan3A_98, %scan3A_99 : i32
        %scan3A_101 = arith.constant 1 : i32
        %scan3A_102 = scf.for %scan3A_108 = %scan3A_98 to %scan3A_100 step %scan3A_101 iter_args(%scan3A_109 = %scan3A_97) -> (f32)  : i32 {
          %mul3A_110 = arith.constant 16 : i32
          %mul3A_111 = arith.muli %scan3A_108, %mul3A_110 : i32
          %get3A_112 = arith.index_cast %mul3A_111 : i32 to index
          %get3A_113 = tpu.vector_load %arg7[%get3A_112] {strides = array<i32>} : memref<256xf32, #tpu.memory_space<vmem>>, vector<16xf32>,
          %min3A = arith.constant 4.000000e+01 : f32
          %min3A_114 = vector.broadcast %min3A : f32 to vector<16xf32>
          %min3A_115 = arith.minimumf %get3A_113, %min3A_114 : vector<16xf32>
          %add3A_116 = vector.broadcast %mul3A_96 : f32 to vector<16xf32>
          %add3A_117 = arith.addf %min3A_115, %add3A_116 : vector<16xf32>
          %cumsum3A = arith.constant true
          %cumsum3A_118 = vector.broadcast %cumsum3A : i1 to vector<16xi1>
          %cumsum3A_119 = tpu.scan <sum>, %add3A_117 masked %cumsum3A_118 : vector<16xf32>, vector<16xi1> -> vector<16xf32>
          %add3A_120 = vector.broadcast %scan3A_109 : f32 to vector<16xf32>
          %add3A_121 = arith.addf %cumsum3A_119, %add3A_120 : vector<16xf32>
          %mul3A_122 = arith.constant 2.44140625E-4 : f32
          %mul3A_123 = vector.broadcast %mul3A_122 : f32 to vector<16xf32>
          %mul3A_124 = arith.mulf %add3A_121, %mul3A_123 : vector<16xf32>
          %max3A = arith.constant 0.000000e+00 : f32
          %max3A_125 = vector.broadcast %max3A : f32 to vector<16xf32>
          %max3A_126 = arith.maximumf %mul3A_124, %max3A_125 : vector<16xf32>
          %min3A_127 = arith.constant 1.000000e+00 : f32
          %min3A_128 = vector.broadcast %min3A_127 : f32 to vector<16xf32>
          %min3A_129 = arith.minimumf %max3A_126, %min3A_128 : vector<16xf32>
          %mul3A_130 = arith.constant 16 : i32
          %mul3A_131 = arith.muli %scan3A_108, %mul3A_130 : i32
          %swap3A = arith.index_cast %mul3A_131 : i32 to index
          %swap3A_132 = tpu.vector_load %arg7[%swap3A] {strides = array<i32>} : memref<256xf32, #tpu.memory_space<vmem>>, vector<16xf32>,
          tpu.vector_store %arg7[%swap3A], %min3A_129 {strides = array<i32>} : memref<256xf32, #tpu.memory_space<vmem>>, vector<16xf32>,
          %reduce_sum3A = arith.constant true
          %reduce_sum3A_133 = vector.broadcast %reduce_sum3A : i1 to vector<16xi1>
          %reduce_sum3A_134 = tpu.scan <sum>, %add3A_117 masked %reduce_sum3A_133 : vector<16xf32>, vector<16xi1> -> vector<16xf32>
          %reduce_sum3A_135 = vector.extract %reduce_sum3A_134[15] : f32 from vector<16xf32>
          %add3A_136 = arith.addf %scan3A_109, %reduce_sum3A_135 : f32
          scf.yield %add3A_136 : f32
        }
        %scan3A_103 = arith.constant 16 : i32
        %mul3A_104 = arith.constant 8 : i32
        %mul3A_105 = arith.muli %add3A_24, %mul3A_104 : i32
        %add3A_106 = arith.addi %mul3A_105, %scan3A_65 : i32
        "tpu.region"() ({
          %run_scoped3A = tpu.sem_alloc : memref<!tpu.dma_semaphore, #tpu.memory_space<semaphore_mem>>
          %dma_start3A = arith.constant 0 : i32
          %dma_start3A_108 = tpu.memref_slice %arg4[%add3A_106, %dma_start3A] : memref<1536x256xf32, #tpu.memory_space<hbm>> -> memref<1x256xf32, #tpu.memory_space<hbm>>
          %dma_start3A_109 = tpu.memref_squeeze %dma_start3A_108 : memref<1x256xf32, #tpu.memory_space<hbm>> -> memref<256xf32, #tpu.memory_space<hbm>>
          %dma_start3A_110 = arith.constant 0 : i32
          %dma_start3A_111 = tpu.memref_slice %arg4[%add3A_106, %dma_start3A_110] : memref<1536x256xf32, #tpu.memory_space<hbm>> -> memref<1x256xf32, #tpu.memory_space<hbm>>
          %dma_start3A_112 = tpu.memref_squeeze %dma_start3A_111 : memref<1x256xf32, #tpu.memory_space<hbm>> -> memref<256xf32, #tpu.memory_space<hbm>>
          tpu.enqueue_dma source(%arg7 : memref<256xf32, #tpu.memory_space<vmem>>) target(%dma_start3A_112 : memref<256xf32, #tpu.memory_space<hbm>>) target_semaphore(%run_scoped3A : memref<!tpu.dma_semaphore, #tpu.memory_space<semaphore_mem>>)
          %dma_wait3A = arith.constant 0 : i32
          %dma_wait3A_113 = tpu.memref_slice %arg4[%add3A_106, %dma_wait3A] : memref<1536x256xf32, #tpu.memory_space<hbm>> -> memref<1x256xf32, #tpu.memory_space<hbm>>
          %dma_wait3A_114 = tpu.memref_squeeze %dma_wait3A_113 : memref<1x256xf32, #tpu.memory_space<hbm>> -> memref<256xf32, #tpu.memory_space<hbm>>
          %dma_wait3A_115 = arith.constant 0 : i32
          %dma_wait3A_116 = tpu.memref_slice %arg4[%add3A_106, %dma_wait3A_115] : memref<1536x256xf32, #tpu.memory_space<hbm>> -> memref<1x256xf32, #tpu.memory_space<hbm>>
          %dma_wait3A_117 = tpu.memref_squeeze %dma_wait3A_116 : memref<1x256xf32, #tpu.memory_space<hbm>> -> memref<256xf32, #tpu.memory_space<hbm>>
          tpu.wait_dma2 semaphore(%run_scoped3A : memref<!tpu.dma_semaphore, #tpu.memory_space<semaphore_mem>>) src(%arg7 : memref<256xf32, #tpu.memory_space<vmem>>) dst(%dma_wait3A_117 : memref<256xf32, #tpu.memory_space<hbm>>)
          tpu.yield
        }) : () -> ()
        %scan3A_107 = arith.constant 0 : i32
        scf.yield %scan3A_107 : i32
      }
      %scan3A_63 = arith.constant 8 : i32
      %scan3A_64 = arith.constant 0 : i32
      scf.yield %scan3A_64 : i32
    }
    %scan3A_19 = arith.constant 6 : i32
    return
  }
}

module attributes {stable_mosaic.version = 14 : i64} {
  func.func @_minmax_body(%arg0: i32, %arg1: memref<1x512x512xf32, #tpu.memory_space<vmem>>, %arg2: memref<1x1xf32, #tpu.memory_space<smem>>, %arg3: memref<1x1xf32, #tpu.memory_space<smem>>) attributes {dimension_semantics = [#tpu.dimension_semantics<arbitrary>], iteration_bounds = array<i64: 24>, scalar_prefetch = 0 : i64, scratch_operands = 0 : i64, tpu.core_type = #tpu.core_type<tc>, window_params = [{transform_indices = @transform_0, window_bounds = array<i64: 1, 512, 512>}, {transform_indices = @transform_1, window_bounds = array<i64: 1, 1>}, {transform_indices = @transform_2, window_bounds = array<i64: 1, 1>}]} {
    %get3A = arith.constant 0 : index
    %get3A_0 = arith.constant 0 : index
    %get3A_1 = arith.constant 0 : index
    %get3A_2 = vector.load %arg1[%get3A, %get3A_0, %get3A_1] : memref<1x512x512xf32, #tpu.memory_space<vmem>>, vector<1x512x512xf32>
    %reduce_min3A = vector.shape_cast %get3A_2 : vector<1x512x512xf32> to vector<1x1x512x512xf32>
    %reduce_min3A_3 = arith.constant dense<0x7F800000> : vector<1xf32>
    %reduce_min3A_4 = vector.multi_reduction <minimumf>, %reduce_min3A, %reduce_min3A_3 [1, 2, 3] : vector<1x1x512x512xf32> to vector<1xf32>
    %reduce_min3A_5 = vector.shape_cast %reduce_min3A_4 : vector<1xf32> to vector<1x1x1x1xf32>
    %reduce_min3A_6 = vector.extract %reduce_min3A_5[0, 0, 0, 0] : f32 from vector<1x1x1x1xf32>
    %reduce_max3A = vector.shape_cast %get3A_2 : vector<1x512x512xf32> to vector<1x1x512x512xf32>
    %reduce_max3A_7 = arith.constant dense<0xFF800000> : vector<1xf32>
    %reduce_max3A_8 = vector.multi_reduction <maximumf>, %reduce_max3A, %reduce_max3A_7 [1, 2, 3] : vector<1x1x512x512xf32> to vector<1xf32>
    %reduce_max3A_9 = vector.shape_cast %reduce_max3A_8 : vector<1xf32> to vector<1x1x1x1xf32>
    %reduce_max3A_10 = vector.extract %reduce_max3A_9[0, 0, 0, 0] : f32 from vector<1x1x1x1xf32>
    %eq3A = arith.constant 0 : i32
    %eq3A_11 = arith.cmpi eq, %arg0, %eq3A : i32
    %convert_element_type3A = arith.extui %eq3A_11 : i1 to i32
    %cond3A = arith.constant 0 : i32
    %cond3A_12 = arith.cmpi ne, %convert_element_type3A, %cond3A : i32
    scf.if %cond3A_12 {
      %swap3A = arith.constant 0 : index
      %swap3A_17 = arith.constant 0 : index
      %swap3A_18 = memref.load %arg2[%swap3A, %swap3A_17] : memref<1x1xf32, #tpu.memory_space<smem>>
      memref.store %reduce_min3A_6, %arg2[%swap3A, %swap3A_17] : memref<1x1xf32, #tpu.memory_space<smem>>
      %swap3A_19 = arith.constant 0 : index
      %swap3A_20 = arith.constant 0 : index
      %swap3A_21 = memref.load %arg3[%swap3A_19, %swap3A_20] : memref<1x1xf32, #tpu.memory_space<smem>>
      memref.store %reduce_max3A_10, %arg3[%swap3A_19, %swap3A_20] : memref<1x1xf32, #tpu.memory_space<smem>>
    } else {
    }
    %gt3A = arith.constant 0 : i32
    %gt3A_13 = arith.cmpi sgt, %arg0, %gt3A : i32
    %convert_element_type3A_14 = arith.extui %gt3A_13 : i1 to i32
    %cond3A_15 = arith.constant 0 : i32
    %cond3A_16 = arith.cmpi ne, %convert_element_type3A_14, %cond3A_15 : i32
    scf.if %cond3A_16 {
      %get3A_17 = arith.constant 0 : index
      %get3A_18 = arith.constant 0 : index
      %get3A_19 = memref.load %arg2[%get3A_17, %get3A_18] : memref<1x1xf32, #tpu.memory_space<smem>>
      %min3A = arith.minimumf %get3A_19, %reduce_min3A_6 : f32
      %swap3A = arith.constant 0 : index
      %swap3A_20 = arith.constant 0 : index
      %swap3A_21 = memref.load %arg2[%swap3A, %swap3A_20] : memref<1x1xf32, #tpu.memory_space<smem>>
      memref.store %min3A, %arg2[%swap3A, %swap3A_20] : memref<1x1xf32, #tpu.memory_space<smem>>
      %get3A_22 = arith.constant 0 : index
      %get3A_23 = arith.constant 0 : index
      %get3A_24 = memref.load %arg3[%get3A_22, %get3A_23] : memref<1x1xf32, #tpu.memory_space<smem>>
      %max3A = arith.maximumf %get3A_24, %reduce_max3A_10 : f32
      %swap3A_25 = arith.constant 0 : index
      %swap3A_26 = arith.constant 0 : index
      %swap3A_27 = memref.load %arg3[%swap3A_25, %swap3A_26] : memref<1x1xf32, #tpu.memory_space<smem>>
      memref.store %max3A, %arg3[%swap3A_25, %swap3A_26] : memref<1x1xf32, #tpu.memory_space<smem>>
    } else {
    }
    return
  }
  func.func @transform_0(%arg0: i32) -> (i32, i32, i32) {
    %c0_i32 = arith.constant 0 : i32
    %c0_i32_0 = arith.constant 0 : i32
    %c0_i32_1 = arith.constant 0 : i32
    return %arg0, %c0_i32, %c0_i32_0 : i32, i32, i32
  }
  func.func @transform_1(%arg0: i32) -> (i32, i32) {
    %c0_i32 = arith.constant 0 : i32
    %c0_i32_0 = arith.constant 0 : i32
    %c0_i32_1 = arith.constant 0 : i32
    return %c0_i32, %c0_i32_0 : i32, i32
  }
  func.func @transform_2(%arg0: i32) -> (i32, i32) {
    %c0_i32 = arith.constant 0 : i32
    %c0_i32_0 = arith.constant 0 : i32
    %c0_i32_1 = arith.constant 0 : i32
    return %c0_i32, %c0_i32_0 : i32, i32
  }
}

</mosaic_0001>

<sc_bundles>
// kernel: kernel.5.cloned.1.call-start
scs
__scs_entry_jumppad:
0x0: {  	(pc) =	sbr.rel $0x88, $3  }
0x1: {  	(tag) =	ssettag $0x0;
	lr =	simm.s32 $0x1  }
0x2: {  	[smem:$0x3FA0] =	sst lr;
	_ =	strace $0xD0000000  }
0x3: {  	_ = 	snop  }
0x4: {  	_ = 	snop  }
0x5: {  	_ = 	snop  }
0x6: {  	_ = 	snop  }
0x7: {  	_ = 	snop  }
__scs_overlays_trampoline_lowered:
0x8: {  	[smem:$0x3FAF] =	sst s0  }
0x9: {  	[smem:$0x3FB0] =	sst s1  }
0xa: {  	[smem:$0x3FB1] =	sst s2  }
0xb: {  	[smem:$0x3FB2] =	sst s3  }
0xc: {  	[smem:$0x3FB3] =	sst s4  }
0xd: {  	[smem:$0x3FB4] =	sst s5  }
0xe: {  	[smem:$0x3FB5] =	sst s6  }
0xf: {  	[smem:$0x3FB6] =	sst s7  }
0x10: {  	[smem:$0x3FB7] =	sst s8  }
0x11: {  	[smem:$0x3FB8] =	sst s9;
	s0 =	simm.s32 @!p0 $0x0  }
0x12: {  	s1 =	sld [smem:$0x3F9E];
	s0 =	simm.s32 @p0 $0x1  }
0x13: {  	[smem:$0x3FB9] =	sst s0;
	s0 =	simm.s32 @!p1 $0x0  }
0x14: {  	s2 =	sld [smem:$0x3F9D];
	s0 =	simm.s32 @p1 $0x1  }
0x15: {  	[smem:$0x3FBA] =	sst s0;
	s0 =	simm.s32 @!p2 $0x0  }
0x16: {  	s3 =	sld [smem:$0x3FDB];
	s0 =	simm.s32 @p2 $0x1  }
0x17: {  	s4 =	simm.s32 $0x1BF5;
	[smem:$0x3FBC] =	sst s0  }
0x18: {  	s0 =	sld [smem:$0x3F9F];
	_ =	swait.ge [sflag:s4], $0x0  }
0x19: {  	s7 =	sld [smem:$0x3FA0]  }
0x1a: {  	s8 =	sadd.s32 $0xFFFFE003, lr  }
0x1b: {  	s9 =	sadd.s32 $0xFFFFFEF7, lr;
	s5 =	simm.s32 $0xFFFFFFFF;
	p2 =	slt.u32 s8, $0xFFFFF086  }
0x1c: {  	p1 =	slt.u32 s9, $0xF7A;
	s5 =	simm.s32 @!p2 $0x0  }
0x1d: {  	s5 =	simm.s32 @p1 $0x1;
	p0 =	seq.s32 s7, s2  }
0x1e: {  	s7 =	smul.u32 @!p0 $0xF7A, s2;
	p2 =	seq.s32 @!p0 s5, $0x0  }
0x1f: {  	s9 =	smul.u32 $0xF7A, s1;
	s8 =	simm.s32 @!p0 $0x1BF5;
	p2 =	por !p2, p0  }
0x20: {  	[sflag:s8] =	ssyncset.s32 @!p0 $0xFFFFF086;
	s6 =	sadd.s32 @!p0 s3, s7;
	s7 =	simm.s32 @!p0 $0x108  }
0x21: {  	s3 =	sadd.s32 s3, s9;
	s6 =	sadd.s32 @!p0 $0x88, s6;
	s7 =	simm.s32 @p2 $0x1082  }
0x22: {  	[simem:s7], [sflag:s8] =	dma.local @!p0 [hbm:s6], $0xF7A  }
0x23: {  	s9 =	sor.u32 $0xD0000000, s2;
	s6 =	simm.s32 $0x108;
	_ =	swait.ge @!p0 [sflag:s8], $0x0  }
0x24: {  	s3 =	sadd.s32 $0x88, s3;
	s6 =	simm.s32 @!p1 $0x1082;
	[sflag:s4] =	ssyncset.s32 $0xFFFFF086  }
0x25: {  	[simem:s6], [sflag:s4] =	dma.local [hbm:s3], $0xF7A  }
0x26: {  	[smem:$0x3FA0] =	sst s1;
	(tag) =	ssettag s2;
	_ =	strace s9  }
0x27: {  	s1 =	sld [smem:$0x3FB0]  }
0x28: {  	s2 =	sld [smem:$0x3FB1]  }
0x29: {  	s4 =	sld [smem:$0x3FB3]  }
0x2a: {  	p0 =	seq.s32 s5, $0x0;
	s5 =	sld [smem:$0x3FB4]  }
0x2b: {  	s6 =	sld [smem:$0x3FB5]  }
0x2c: {  	s7 =	sld [smem:$0x3FB6]  }
0x2d: {  	s3 =	simm.s32 $0x108;
	s8 =	sld [smem:$0x3FB7]  }
0x2e: {  	s3 =	simm.s32 @!p0 $0x1082;
	s9 =	sld [smem:$0x3FB8]  }
0x2f: {  	lr =	sadd.s32 s0, s3;
	s0 =	sld [smem:$0x3FAF]  }
0x30: {  	s3 =	sld [smem:$0x3FB2]  }
0x31: {  	[smem:$0x3FBB] =	sst s10  }
0x32: {  	s10 =	sld [smem:$0x3FB9];
	_ =	sdelay $0x3  }
0x33: {  	p0 =	seq.s32 s10, $0x1;
	s10 =	sld [smem:$0x3FBB];
	_ =	sdelay $0x3  }
0x34: {  	[smem:$0x3FBB] =	sst s10  }
0x35: {  	s10 =	sld [smem:$0x3FBA];
	_ =	sdelay $0x3  }
0x36: {  	p1 =	seq.s32 s10, $0x1;
	s10 =	sld [smem:$0x3FBB];
	_ =	sdelay $0x3  }
0x37: {  	[smem:$0x3FBB] =	sst s10  }
0x38: {  	s10 =	sld [smem:$0x3FBC]  }
0x39: {  	_ = 	snop;
	(pc) =	sbr.ind lr, $3  }
0x3a: {  	_ = 	snop  }
0x3b: {  	_ = 	snop  }
0x3c: {  	p2 =	seq.s32 s10, $0x1;
	s10 =	sld [smem:$0x3FBB]  }
0x3d: {  	_ =	shalt  }
0x3e: {  	_ =	shalt  }
0x3f: {  	_ =	shalt  }
0x40: {  	_ =	shalt  }
0x41: {  	_ =	shalt  }
0x42: {  	_ =	shalt  }
0x43: {  	_ =	shalt  }
0x44: {  	_ =	shalt  }
0x45: {  	_ =	shalt  }
0x46: {  	_ =	shalt  }
0x47: {  	_ =	shalt  }
0x48: {  	_ =	shalt  }
0x49: {  	_ =	shalt  }
0x4a: {  	_ =	shalt  }
0x4b: {  	_ =	shalt  }
0x4c: {  	_ =	shalt  }
0x4d: {  	_ =	shalt  }
0x4e: {  	_ =	shalt  }
0x4f: {  	_ =	shalt  }
0x50: {  	_ =	shalt  }
0x51: {  	_ =	shalt  }
0x52: {  	_ =	shalt  }
0x53: {  	_ =	shalt  }
0x54: {  	_ =	shalt  }
0x55: {  	_ =	shalt  }
0x56: {  	_ =	shalt  }
0x57: {  	_ =	shalt  }
0x58: {  	_ =	shalt  }
0x59: {  	_ =	shalt  }
0x5a: {  	_ =	shalt  }
0x5b: {  	_ =	shalt  }
0x5c: {  	_ =	shalt  }
0x5d: {  	_ =	shalt  }
0x5e: {  	_ =	shalt  }
0x5f: {  	_ =	shalt  }
0x60: {  	_ =	shalt  }
0x61: {  	_ =	shalt  }
0x62: {  	_ =	shalt  }
0x63: {  	_ =	shalt  }
0x64: {  	_ =	shalt  }
0x65: {  	_ =	shalt  }
0x66: {  	_ =	shalt  }
0x67: {  	_ =	shalt  }
0x68: {  	_ =	shalt  }
0x69: {  	_ =	shalt  }
0x6a: {  	_ =	shalt  }
0x6b: {  	_ =	shalt  }
0x6c: {  	_ =	shalt  }
0x6d: {  	_ =	shalt  }
0x6e: {  	_ =	shalt  }
0x6f: {  	_ =	shalt  }
0x70: {  	_ =	shalt  }
0x71: {  	_ =	shalt  }
0x72: {  	_ =	shalt  }
0x73: {  	_ =	shalt  }
0x74: {  	_ =	shalt  }
0x75: {  	_ =	shalt  }
0x76: {  	_ =	shalt  }
0x77: {  	_ =	shalt  }
0x78: {  	_ =	shalt  }
0x79: {  	_ =	shalt  }
0x7a: {  	_ =	shalt  }
0x7b: {  	_ =	shalt  }
0x7c: {  	_ =	shalt  }
0x7d: {  	_ =	shalt  }
0x7e: {  	_ =	shalt  }
0x7f: {  	_ =	shalt  }
0x80: {  	_ =	shalt  }
0x81: {  	_ =	shalt  }
0x82: {  	_ =	shalt  }
0x83: {  	_ =	shalt  }
0x84: {  	_ =	shalt  }
0x85: {  	_ =	shalt  }
0x86: {  	_ =	shalt  }
0x87: {  	_ =	shalt  }
.Lfunc_end0:
.L_simem_size_0:
called_computation_lowered:
.L_overlay_start_0:
0x88: {  	s2 =	sld [smem:$0x3FD9]  }
0x89: {  	s3 =	sld [smem:$0x3FFE];
	_ =	sdelay $0x1  }
0x8a: {  	s1 =	srdreg.scid  }
0x8b: {  	s0 =	sand.u32 $0x1, s1  }
0x8c: {  	s14 =	sshll.u32 s0, $0xA;
	s2 =	sadd.s32 s3, s2  }
0x8d: {  	s2 =	sadd.s32 s2, s14  }
0x8e: {  	[smem:$0x3FC7] =	sst s2  }
0x8f: {  	_ = 	snop  }
0x90: {  	s2 =	sld [smem:$0x3FD0];
	_ =	sdelay $0x2  }
0x91: {  	s15 =	simm.s32 $0xA;
	s4 =	simm.s32 $0x10  }
0x92: {  	[smem:s4], [sflag:s15] =	dma.local [hbm:s2], $0x1  }
0x93: {  	_ =	swait.eq [sflag:s15], $0x1  }
0x94: {  	[sflag:s15] =	ssyncset.done $0x0  }
0x95: {  	[sflag:s15] =	ssyncadd.s32 $0xFFFFFFFF  }
0x96: {  	s16 =	sld [smem:$0x10];
	(tm) =	ssettm $0x1  }
0x97: {  	s17 =	sld [smem:$0x3FFB];
	_ =	sdelay $0x3  }
0x98: {  	_ =	strace s17  }
0x99: {  	s3 =	sld [smem:$0x3FFC];
	_ =	sdelay $0x3  }
0x9a: {  	_ =	strace s3  }
0x9b: {  	s3 =	sld [smem:$0x3FFD];
	_ =	sdelay $0x3  }
0x9c: {  	_ =	strace s3  }
0x9d: {  	_ =	strace $0x8FFFFFFF  }
0x9e: {  	s18 =	sld [smem:$0x3FDB];
	_ =	sdelay $0x1  }
0x9f: {  	s19 =	simm.s32 $_scs_section_size  }
0xa0: {  	s5 =	simm.s32 $_size__tile_overlayer_lowered;
	s6 =	simm.s32 $_tile_overlayer_lowered  }
0xa1: {  	s22 =	simm.s32 $0x1BFF;
	s21 =	sshll.u32 s6, $0x1;
	s3 =	sadd.s32 s19, s18  }
0xa2: {  	s7 =	simm.s32 $0x0;
	s20 =	sshll.u32 s5, $0x1;
	s5 =	sadd.s32 s21, s3  }
0xa3: {  	[timem:s7], [sflag:s22] =	dma.local [hbm:s5], s20  }
0xa4: {  	_ =	swait.ge [sflag:s22], s20  }
0xa5: {  	s4 =	ssub.s32 $0x0, s20;
	[sflag:s22] =	ssyncset.done $0x0  }
0xa6: {  	[sflag:s22] =	ssyncadd.s32 s4;
	_ =	sdelay $0x1  }
0xa7: {  	s23 =	simm.s32 $0x1B8B  }
0xa8: {  	_ =	swait.ge [sflag:s23], $0x1  }
0xa9: {  	[sflag:s23] =	ssyncset.done $0x0  }
0xaa: {  	s25 =	simm.s32 $0x1B8E;
	s24 =	sld [smem:$0x3FFE];
	[sflag:s23] =	ssyncadd.s32 $0xFFFFFFFF  }
0xab: {  	s26 =	simm.s32 $execute0_lowered;
	[smem:$0x3FD2] =	sst s25  }
0xac: {  	s5 =	sshll.u32 s26, $0x1;
	_ =	strace $0x80000046;
	[dreg:$0x1] =	wrdreg $0xFFFFFFFF  }
0xad: {  	s28 =	simm.s32 $_size_execute0_lowered;
	s3 =	sadd.s32 s3, s5;
	[dreg:$0x0] =	wrdreg $0x0  }
0xae: {  	s5 =	sshll.u32 s28, $0x1;
	[dreg:$0x2] =	wrdreg s3  }
0xaf: {  	[dreg:$0x3] =	wrdreg s5  }
0xb0: {  	[dreg:$0x4] =	wrdreg $0xC0  }
0xb1: {  	_ =	task [dreg:s7], $0x5FFFF  }
0xb2: {  	[dreg:$0x1] =	wrdreg $0xFFFFFFFF  }
0xb3: {  	[dreg:$0x0] =	wrdreg $0x60  }
0xb4: {  	[dreg:$0x2] =	wrdreg s24  }
0xb5: {  	[dreg:$0x3] =	wrdreg s16  }
0xb6: {  	[dreg:$0x4] =	wrdreg $0x9  }
0xb7: {  	_ =	task.clear_ibuf [dreg:s7], $0x5FFFF;
	_ =	strace $0x90000046  }
0xb8: {  	s29 =	simm.s32 $0x9;
	_ =	strace $0x80000048  }
0xb9: {  	_ =	swait.ge [sflag:s29], $0x1  }
0xba: {  	[sflag:s29] =	ssyncadd.s32 $0xFFFFFFFF  }
0xbb: {  	_ =	strace $0x90000048  }
0xbc: {  	_ =	sfence  }
0xbd: {  	s30 =	sld [smem:$0x0];
	_ =	sdelay $0x2  }
0xbe: {  	s31 =	sshll.u32 s1, $0xD;
	s1 =	sshrl.u32 s1, $0x2  }
0xbf: {  	s3 =	sand.u32 $0x4000, s31;
	s1 =	sadd.s32 s1, s30  }
0xc0: {  	s0 =	sor.u32 s3, s0;
	s1 =	sshll.u32 s1, $0x11  }
0xc1: {  	s0 =	sor.u32 s1, s0  }
0xc2: {  	s0 =	sadd.s32 $0x8F2B, s0  }
0xc3: {  	[sflag:s0] =	ssyncadd.remote.s32 $0x1  }
0xc4: {  	_ =	sfence.sel $0xFFFF  }
0xc5: {  	[dreg:$0x0] =	wrdreg $0xFFFFFFFF;
	(pc) =	sbr.abs _section_cstart, $3  }
0xc6: {  	[dreg:$0x1] =	wrdreg $0xFFFFFFFF  }
0xc7: {  	_ =	task.clear_ibuf [dreg:s7], $0x2FFFF;
	_ =	strace $0x9FFFFFFF  }
0xc8: {  	(tm) =	ssettm $0x7FFFFFFF  }
0xc9: {  	_ =	shalt  }
tec
execute0_lowered:
.L_overlay_start_1:
0x0: {  	(tag) =	ssettag $0x1  }
0x1: {  	s5 =	rddreg [dreg:$0x0]  }
0x2: {  	s1 =	rddreg [dreg:$0x1]  }
0x3: {  	s0 =	rddreg [dreg:$0x2];
	s2 =	simm.s32 $0x0  }
0x4: {  	s3 =	srdreg.scid;
	s10 =	simm.s32 $0x8000;
	s11 =	simm.s32 $0x80  }
0x5: {  	s12 =	simm.s32 $0x400;
	s13 =	simm.s32 $0x9000;
	s14 =	simm.s32 $0x0  }
0x6: {  	[smem:$0x7FF] =	sst s2;
	s6 =	sand.u32 $0x1, s3;
	s3 =	stileid.u32  }
0x7: {  	s4 =	sadd.s32 $0xC00, s5;
	s5 =	sadd.s32 $0xC0C00, s5;
	s7 =	ssub.s32 $0x2, s6  }
0x8: {  	_ =	strace $0x80000047;
	s9 =	sshll.u32 s3, $0x1;
	s8 =	sshrl.u32 s7, $0x1  }
0x9: {  	v1 =	vlaneseq.u32;
	s6 =	sor.u32 s6, s9;
	s9 =	simm.s32 $0x1;
	s7 =	ssub.s32 s7, s8  }
0xa: {  	v0 =	vimm.f32 $0.0e+00;
	v2 =	vimm.f32 $1.000000000e+00;
	v1 =	vmul.u32 $0x100, v1;
	s6 =	smul.u32 $0x6, s6;
	s8 =	simm.s32 $0x9100;
	s7 =	smax.u32 s7, $0x1  }
.LBB2_1:
0xb: {  	[tilespmem:s8], [sflag:$0x1] =	stream.linear.gather [hbm4b:s5+s2], $0x100, $0x38;
	[tilespmem:$0x9200] =	vst v63  }
0xc: {  	_ =	swait.ge [sflag:s9], $0x100  }
0xd: {  	[sflag:s9] =	ssyncset.done $0x0  }
0xe: {  	[sflag:s9] =	ssyncadd.s32 $0xFFFFFF00  }
0xf: {  	v3 =	vld [tilespmem:$0x9100]  }
0x10: {  	s15 =	simm.s32 $0x0;
	v4 =	vld [tilespmem:$0x9180]  }
.LBB2_2:
0x11: {  	s17 =	sadd.s32 s6, s15  }
0x12: {  	s16 =	sshll.u32 s17, $0xC  }
0x13: {  	s18 =	sadd.s32 s4, s16;
	s16 =	simm.s32 $0x0  }
0x14: {  	[tilespmem:s16], [sflag:$0x1] =	stream.linear.gather [hbm4b:s18+s16], $0x8000, $0x38;
	[tilespmem:$0x9200] =	vst v63  }
0x15: {  	_ =	swait.ge [sflag:s9], $0x8000  }
0x16: {  	s17 =	sshll.u32 s17, $0x8;
	[sflag:s9] =	ssyncset.done $0x0  }
0x17: {  	s17 =	sadd.s32 s1, s17;
	[sflag:s9] =	ssyncadd.s32 $0xFFFF8000  }
.LBB2_3:
0x18: {  	s18 =	simm.s32 $0x40;
	s19 =	simm.s32 $0x0  }
.LBB2_4:
0x19: {  	p0 =	seq.s32 s18, $0x3FC0;
	[tilespmem:s19+$0x8000] =	vst v0;
	s19 =	smov.u32 s18;
	s18 =	sadd.s32 $0x40, s18  }
.Ltmp0:
0x1a: {  	(pc) =	sbr.rel @!p0 .LBB2_4-.Ltmp0, $2  }
0x1b: {  	_ =	sdelay $0x2  }
0x1c: {  	s19 =	sshra.s32 s19, $0x2  }
0x1d: {  	s18 =	sshll.u32 s16, $0x6  }
0x1e: {  	s20 =	sand.u32 $0x40, s18  }
0x1f: {  	s31 =	sshll.u32 s16, $0x9;
	s21 =	simm.s32 $0x0;
	v5 =	vmov s20  }
0x20: {  	[tilespmem:s19+$0x8000] =	vst v0;
	s19 =	sand.u32 $0xC00, s31;
	s18 =	simm.s32 $0x0;
	s20 =	simm.s32 $0x0  }
.LBB2_6:
0x21: {  	s22 =	sand.u32 $0x7000, s21  }
0x22: {  	s23 =	sand.u32 $0x380, s20;
	s22 =	sor.u32 s22, s19  }
0x23: {  	s22 =	sadd.s32 s23, s22  }
0x24: {  	v6 =	vld.idx.msk [tilespmem:v5+s22+$0x0 ss:$0x1], $0xffff;
	_ =	sdelay $0x4  }
0x25: {  	v6 =	vsub.f32 v6, v3;
	_ =	sdelay $0x1  }
0x26: {  	v6 =	vmul.f32 v6, v4;
	_ =	sdelay $0x1  }
0x27: {  	v6 =	vadd.f32 $5.000000000e-01, v6;
	_ =	sdelay $0x1  }
0x28: {  	v6 =	vtrunc.f32 v6  }
0x29: {  	v6 =	vcvt.f32.s32 v6;
	_ =	sdelay $0x1  }
0x2a: {  	vm0 =	vlt.s32 v6, $0xFF  }
0x2b: {  	v6 =	vnsel vm0, $0xFF, v6  }
0x2c: {  	v6 =	vadd.s32 v1, v6;
	_ =	sdelay $0x4  }
0x2d: {  	[tilespmem:v6+s10+$0x0] =	vst.idx.add.f32.msk $0xffff, v2  }
0x2e: {  	v6 =	vld.idx.msk [tilespmem:v5+s22+$0x10 ss:$0x1], $0xffff;
	_ =	sdelay $0x4  }
0x2f: {  	v6 =	vsub.f32 v6, v3;
	_ =	sdelay $0x1  }
0x30: {  	v6 =	vmul.f32 v6, v4;
	_ =	sdelay $0x1  }
0x31: {  	v6 =	vadd.f32 $5.000000000e-01, v6;
	_ =	sdelay $0x1  }
0x32: {  	v6 =	vtrunc.f32 v6  }
0x33: {  	v6 =	vcvt.f32.s32 v6;
	_ =	sdelay $0x1  }
0x34: {  	vm13 =	vlt.s32 v6, $0xFF  }
0x35: {  	v6 =	vnsel vm13, $0xFF, v6  }
0x36: {  	v6 =	vadd.s32 v1, v6;
	_ =	sdelay $0x4  }
0x37: {  	[tilespmem:v6+s10+$0x0] =	vst.idx.add.f32.msk $0xffff, v2  }
0x38: {  	v6 =	vld.idx.msk [tilespmem:v5+s22+$0x20 ss:$0x1], $0xffff;
	_ =	sdelay $0x4  }
0x39: {  	v6 =	vsub.f32 v6, v3;
	_ =	sdelay $0x1  }
0x3a: {  	v6 =	vmul.f32 v6, v4;
	_ =	sdelay $0x1  }
0x3b: {  	v6 =	vadd.f32 $5.000000000e-01, v6;
	_ =	sdelay $0x1  }
0x3c: {  	v6 =	vtrunc.f32 v6  }
0x3d: {  	v6 =	vcvt.f32.s32 v6;
	_ =	sdelay $0x1  }
0x3e: {  	vm14 =	vlt.s32 v6, $0xFF  }
0x3f: {  	v6 =	vnsel vm14, $0xFF, v6  }
0x40: {  	v6 =	vadd.s32 v1, v6;
	_ =	sdelay $0x4  }
0x41: {  	[tilespmem:v6+s10+$0x0] =	vst.idx.add.f32.msk $0xffff, v2  }
0x42: {  	v6 =	vld.idx.msk [tilespmem:v5+s22+$0x30 ss:$0x1], $0xffff;
	_ =	sdelay $0x4  }
0x43: {  	v6 =	vsub.f32 v6, v3;
	_ =	sdelay $0x1  }
0x44: {  	v6 =	vmul.f32 v6, v4;
	_ =	sdelay $0x1  }
0x45: {  	v6 =	vadd.f32 $5.000000000e-01, v6;
	_ =	sdelay $0x1  }
0x46: {  	v6 =	vtrunc.f32 v6  }
0x47: {  	v6 =	vcvt.f32.s32 v6;
	_ =	sdelay $0x1  }
0x48: {  	vm15 =	vlt.s32 v6, $0xFF  }
0x49: {  	v6 =	vnsel vm15, $0xFF, v6  }
0x4a: {  	p0 =	sne.s32 s21, $0x7E00;
	v6 =	vadd.s32 v1, v6  }
.Ltmp1:
0x4b: {  	_ = 	snop;
	(pc) =	sbr.rel @p0 .LBB2_6-.Ltmp1, $2  }
0x4c: {  	_ =	sdelay $0x2  }
0x4d: {  	s20 =	sadd.s32 $0x80, s20;
	s21 =	sadd.s32 $0x200, s21;
	[tilespmem:v6+s10+$0x0] =	vst.idx.add.f32.msk $0xffff, v2  }
0x4e: {  	s18 =	sand.u32 $0xF0, s18  }
0x4f: {  	v5 =	vld [tilespmem:s18+$0x8000];
	_ =	sdelay $0x1  }
0x50: {  	v6 =	vld [tilespmem:s18+$0x8100];
	_ =	sdelay $0x1  }
0x51: {  	v7 =	vld [tilespmem:s18+$0x8200]  }
0x52: {  	v5 =	vadd.f32 $0.0e+00, v5  }
0x53: {  	v8 =	vld [tilespmem:s18+$0x8300]  }
0x54: {  	v5 =	vadd.f32 v6, v5  }
0x55: {  	v6 =	vld [tilespmem:s18+$0x8400]  }
0x56: {  	v5 =	vadd.f32 v7, v5  }
0x57: {  	v7 =	vld [tilespmem:s18+$0x8500]  }
0x58: {  	v5 =	vadd.f32 v8, v5  }
0x59: {  	v60 =	vld [tilespmem:s18+$0x8600]  }
0x5a: {  	v5 =	vadd.f32 v6, v5  }
0x5b: {  	v6 =	vld [tilespmem:s18+$0x8700]  }
0x5c: {  	v5 =	vadd.f32 v7, v5  }
0x5d: {  	v7 =	vld [tilespmem:s18+$0x8800]  }
0x5e: {  	v5 =	vadd.f32 v60, v5  }
0x5f: {  	v61 =	vld [tilespmem:s18+$0x8900]  }
0x60: {  	v5 =	vadd.f32 v6, v5  }
0x61: {  	v6 =	vld [tilespmem:s18+$0x8A00]  }
0x62: {  	v5 =	vadd.f32 v7, v5  }
0x63: {  	v7 =	vld [tilespmem:s18+$0x8B00]  }
0x64: {  	v5 =	vadd.f32 v61, v5  }
0x65: {  	v62 =	vld [tilespmem:s18+$0x8C00]  }
0x66: {  	v5 =	vadd.f32 v6, v5  }
0x67: {  	v6 =	vld [tilespmem:s18+$0x8D00]  }
0x68: {  	v5 =	vadd.f32 v7, v5  }
0x69: {  	v7 =	vld [tilespmem:s18+$0x8E00]  }
0x6a: {  	v5 =	vadd.f32 v62, v5  }
0x6b: {  	v63 =	vld [tilespmem:s18+$0x8F00]  }
0x6c: {  	v5 =	vadd.f32 v6, v5;
	_ =	sdelay $0x1  }
0x6d: {  	v5 =	vadd.f32 v7, v5;
	_ =	sdelay $0x1  }
0x6e: {  	v5 =	vadd.f32 v63, v5  }
0x6f: {  	s19 =	simm.s32 $0x10;
	s18 =	simm.s32 $0x9000  }
0x70: {  	s20 =	simm.s32 $0x20;
	s19 =	sand.u32 $0xF0, s19;
	[tilespmem:s18+$0x0] =	vst v5  }
.LBB2_8:
0x71: {  	p0 =	sne.s32 s20, $0xF0;
	v5 =	vld [tilespmem:s19+$0x8000];
	_ =	sdelay $0x1  }
0x72: {  	v6 =	vld [tilespmem:s19+$0x8100];
	_ =	sdelay $0x1  }
0x73: {  	v7 =	vld [tilespmem:s19+$0x8200]  }
0x74: {  	v5 =	vadd.f32 $0.0e+00, v5  }
0x75: {  	v8 =	vld [tilespmem:s19+$0x8300]  }
0x76: {  	v5 =	vadd.f32 v6, v5  }
0x77: {  	v6 =	vld [tilespmem:s19+$0x8400]  }
0x78: {  	v5 =	vadd.f32 v7, v5  }
0x79: {  	v7 =	vld [tilespmem:s19+$0x8500]  }
0x7a: {  	v5 =	vadd.f32 v8, v5  }
0x7b: {  	v8 =	vld [tilespmem:s19+$0x8600]  }
0x7c: {  	v5 =	vadd.f32 v6, v5  }
0x7d: {  	v6 =	vld [tilespmem:s19+$0x8700]  }
0x7e: {  	v5 =	vadd.f32 v7, v5  }
0x7f: {  	v7 =	vld [tilespmem:s19+$0x8800]  }
0x80: {  	v5 =	vadd.f32 v8, v5  }
0x81: {  	v8 =	vld [tilespmem:s19+$0x8900]  }
0x82: {  	v5 =	vadd.f32 v6, v5  }
0x83: {  	v6 =	vld [tilespmem:s19+$0x8A00]  }
0x84: {  	v5 =	vadd.f32 v7, v5  }
0x85: {  	v7 =	vld [tilespmem:s19+$0x8B00]  }
0x86: {  	v5 =	vadd.f32 v8, v5  }
0x87: {  	v8 =	vld [tilespmem:s19+$0x8C00]  }
0x88: {  	v5 =	vadd.f32 v6, v5  }
0x89: {  	v6 =	vld [tilespmem:s19+$0x8D00]  }
0x8a: {  	v5 =	vadd.f32 v7, v5  }
0x8b: {  	v7 =	vld [tilespmem:s19+$0x8E00]  }
0x8c: {  	v5 =	vadd.f32 v8, v5  }
0x8d: {  	v8 =	vld [tilespmem:s19+$0x8F00]  }
0x8e: {  	v5 =	vadd.f32 v6, v5;
	_ =	sdelay $0x1  }
.Ltmp2:
0x8f: {  	v5 =	vadd.f32 v7, v5;
	(pc) =	sbr.rel @p0 .LBB2_8-.Ltmp2, $4  }
0x90: {  	_ = 	snop  }
0x91: {  	v5 =	vadd.f32 v8, v5  }
0x92: {  	s18 =	sadd.s32 $0x10, s18  }
0x93: {  	s19 =	sand.u32 $0xF0, s20;
	s20 =	sadd.s32 $0x10, s20;
	[tilespmem:s18+$0x0] =	vst v5  }
0x94: {  	v5 =	vld [tilespmem:s19+$0x8000];
	_ =	sdelay $0x1  }
0x95: {  	v6 =	vld [tilespmem:s19+$0x8100];
	_ =	sdelay $0x1  }
0x96: {  	v7 =	vld [tilespmem:s19+$0x8200]  }
0x97: {  	v5 =	vadd.f32 $0.0e+00, v5  }
0x98: {  	v8 =	vld [tilespmem:s19+$0x8300]  }
0x99: {  	v5 =	vadd.f32 v6, v5  }
0x9a: {  	v6 =	vld [tilespmem:s19+$0x8400]  }
0x9b: {  	v5 =	vadd.f32 v7, v5  }
0x9c: {  	v7 =	vld [tilespmem:s19+$0x8500]  }
0x9d: {  	v5 =	vadd.f32 v8, v5  }
0x9e: {  	v34 =	vld [tilespmem:s19+$0x8600]  }
0x9f: {  	v5 =	vadd.f32 v6, v5  }
0xa0: {  	v6 =	vld [tilespmem:s19+$0x8700]  }
0xa1: {  	v5 =	vadd.f32 v7, v5  }
0xa2: {  	v7 =	vld [tilespmem:s19+$0x8800]  }
0xa3: {  	v5 =	vadd.f32 v34, v5  }
0xa4: {  	v35 =	vld [tilespmem:s19+$0x8900]  }
0xa5: {  	v5 =	vadd.f32 v6, v5  }
0xa6: {  	v6 =	vld [tilespmem:s19+$0x8A00]  }
0xa7: {  	v5 =	vadd.f32 v7, v5  }
0xa8: {  	v7 =	vld [tilespmem:s19+$0x8B00]  }
0xa9: {  	v5 =	vadd.f32 v35, v5  }
0xaa: {  	v36 =	vld [tilespmem:s19+$0x8C00]  }
0xab: {  	v5 =	vadd.f32 v6, v5  }
0xac: {  	v6 =	vld [tilespmem:s19+$0x8D00]  }
0xad: {  	v5 =	vadd.f32 v7, v5  }
0xae: {  	v7 =	vld [tilespmem:s19+$0x8E00]  }
0xaf: {  	v5 =	vadd.f32 v36, v5  }
0xb0: {  	v37 =	vld [tilespmem:s19+$0x8F00]  }
0xb1: {  	v5 =	vadd.f32 v6, v5;
	_ =	sdelay $0x1  }
0xb2: {  	v5 =	vadd.f32 v7, v5;
	_ =	sdelay $0x1  }
0xb3: {  	v5 =	vadd.f32 v37, v5  }
0xb4: {  	s18 =	sadd.s32 $0x10, s18  }
0xb5: {  	[tilespmem:s18+$0x0] =	vst v5  }
0xb6: {  	v5 =	vld [tilespmem:$0x9000];
	_ =	sdelay $0x1  }
0xb7: {  	v6 =	vld [tilespmem:$0x9010];
	_ =	sdelay $0x1  }
0xb8: {  	v7 =	vld [tilespmem:$0x9020]  }
0xb9: {  	v38 =	vmin.f32 v5, $4.000000000e+01  }
0xba: {  	v39 =	vld [tilespmem:$0x9030];
	v5 =	vsub.f32 v5, v38  }
0xbb: {  	v9 =	vmin.f32 v6, $4.000000000e+01  }
0xbc: {  	(xrf2) =	vadd.scan.msk.f32 $0xffff, v5;
	v5 =	vsub.f32 v6, v9;
	v6 =	vld [tilespmem:$0x9040]  }
0xbd: {  	v40 =	vmin.f32 v7, $4.000000000e+01  }
0xbe: {  	(xrf2) =	vadd.scan.msk.f32 $0xffff, v5;
	v5 =	vsub.f32 v7, v40;
	v7 =	vld [tilespmem:$0x9050]  }
0xbf: {  	v41 =	vmin.f32 v39, $4.000000000e+01  }
0xc0: {  	v42 =	vld [tilespmem:$0x9060];
	(xrf2) =	vadd.scan.msk.f32 $0xffff, v5;
	v5 =	vsub.f32 v39, v41  }
0xc1: {  	v43 =	vmin.f32 v6, $4.000000000e+01  }
0xc2: {  	(xrf2) =	vadd.scan.msk.f32 $0xffff, v5;
	v5 =	vsub.f32 v6, v43;
	v6 =	vld [tilespmem:$0x9070]  }
0xc3: {  	v44 =	vmin.f32 v7, $4.000000000e+01  }
0xc4: {  	(xrf2) =	vadd.scan.msk.f32 $0xffff, v5;
	v5 =	vsub.f32 v7, v44;
	v7 =	vld [tilespmem:$0x9080]  }
0xc5: {  	v45 =	vmin.f32 v42, $4.000000000e+01  }
0xc6: {  	v46 =	vld [tilespmem:$0x9090];
	v10, _, _ =	vpop (xrf2);
	(xrf2) =	vadd.scan.msk.f32 $0xffff, v5;
	v5 =	vsub.f32 v42, v45  }
0xc7: {  	(v2sf) =	vpush v10, $0xF;
	v47 =	vmin.f32 v6, $4.000000000e+01  }
0xc8: {  	v48, _, _ =	vpop (xrf2);
	(xrf2) =	vadd.scan.msk.f32 $0xffff, v5;
	v5 =	vsub.f32 v6, v47;
	v6 =	vld [tilespmem:$0x90A0]  }
0xc9: {  	(v2sf) =	vpush v48, $0xF;
	v49 =	vmin.f32 v7, $4.000000000e+01  }
0xca: {  	v50, _, _ =	vpop (xrf2);
	(xrf2) =	vadd.scan.msk.f32 $0xffff, v5;
	v5 =	vsub.f32 v7, v49;
	v7 =	vld [tilespmem:$0x90B0]  }
0xcb: {  	v51 =	vmin.f32 v46, $4.000000000e+01;
	(v2sf) =	vpush v50, $0xF  }
0xcc: {  	v53 =	vld [tilespmem:$0x90C0];
	v52, _, _ =	vpop (xrf2);
	(xrf2) =	vadd.scan.msk.f32 $0xffff, v5;
	v5 =	vsub.f32 v46, v51  }
0xcd: {  	(v2sf) =	vpush v52, $0xF;
	v54 =	vmin.f32 v6, $4.000000000e+01  }
0xce: {  	v55, _, _ =	vpop (xrf2);
	(xrf2) =	vadd.scan.msk.f32 $0xffff, v5;
	v5 =	vsub.f32 v6, v54;
	v6 =	vld [tilespmem:$0x90D0]  }
0xcf: {  	(v2sf) =	vpush v55, $0xF;
	v56 =	vmin.f32 v7, $4.000000000e+01  }
0xd0: {  	v57, _, _ =	vpop (xrf2);
	(xrf2) =	vadd.scan.msk.f32 $0xffff, v5;
	v5 =	vsub.f32 v7, v56;
	v7 =	vld [tilespmem:$0x90E0]  }
0xd1: {  	v58 =	vmin.f32 v53, $4.000000000e+01;
	(v2sf) =	vpush v57, $0xF  }
0xd2: {  	v60 =	vld [tilespmem:$0x90F0];
	v59, _, _ =	vpop (xrf2);
	(xrf2) =	vadd.scan.msk.f32 $0xffff, v5;
	v5 =	vsub.f32 v53, v58  }
0xd3: {  	(v2sf) =	vpush v59, $0xF;
	v61 =	vmin.f32 v6, $4.000000000e+01  }
0xd4: {  	v62, _, _ =	vpop (xrf2);
	(xrf2) =	vadd.scan.msk.f32 $0xffff, v5;
	v5 =	vsub.f32 v6, v61  }
0xd5: {  	(v2sf) =	vpush v62, $0xF;
	v6 =	vmin.f32 v7, $4.000000000e+01  }
0xd6: {  	v63, _, _ =	vpop (xrf2);
	(xrf2) =	vadd.scan.msk.f32 $0xffff, v5;
	s26 =	spop (v2sf);
	v5 =	vsub.f32 v7, v6  }
0xd7: {  	v6 =	vmin.f32 v60, $4.000000000e+01;
	s18 =	sadd.f32 $0.0e+00, s26;
	(v2sf) =	vpush v63, $0xF  }
0xd8: {  	s28 =	spop (v2sf);
	v7, _, _ =	vpop (xrf2);
	(xrf2) =	vadd.scan.msk.f32 $0xffff, v5;
	v5 =	vsub.f32 v60, v6  }
0xd9: {  	s18 =	sadd.f32 s28, s18;
	(v2sf) =	vpush v7, $0xF  }
0xda: {  	s29 =	spop (v2sf);
	v6, _, _ =	vpop (xrf2);
	(xrf2) =	vadd.scan.msk.f32 $0xffff, v5  }
0xdb: {  	s18 =	sadd.f32 s29, s18;
	(v2sf) =	vpush v6, $0xF  }
0xdc: {  	v5, _, _ =	vpop (xrf2);
	s30 =	spop (v2sf)  }
0xdd: {  	s18 =	sadd.f32 s30, s18;
	(v2sf) =	vpush v5, $0xF  }
0xde: {  	v5, _, _ =	vpop (xrf2);
	s31 =	spop (v2sf)  }
0xdf: {  	s18 =	sadd.f32 s31, s18;
	(v2sf) =	vpush v5, $0xF  }
0xe0: {  	v5, _, _ =	vpop (xrf2);
	s20 =	spop (v2sf)  }
0xe1: {  	s18 =	sadd.f32 s20, s18;
	(v2sf) =	vpush v5, $0xF  }
0xe2: {  	v5, _, _ =	vpop (xrf2);
	s21 =	spop (v2sf)  }
0xe3: {  	s18 =	sadd.f32 s21, s18;
	(v2sf) =	vpush v5, $0xF  }
0xe4: {  	s22 =	spop (v2sf);
	v5, _, _ =	vpop (xrf2)  }
0xe5: {  	s18 =	sadd.f32 s22, s18;
	(v2sf) =	vpush v5, $0xF  }
0xe6: {  	s23 =	spop (v2sf)  }
0xe7: {  	s18 =	sadd.f32 s23, s18  }
0xe8: {  	s24 =	spop (v2sf)  }
0xe9: {  	s18 =	sadd.f32 s24, s18  }
0xea: {  	s25 =	spop (v2sf)  }
0xeb: {  	s18 =	sadd.f32 s25, s18  }
0xec: {  	s26 =	spop (v2sf)  }
0xed: {  	s18 =	sadd.f32 s26, s18  }
0xee: {  	s28 =	spop (v2sf)  }
0xef: {  	s18 =	sadd.f32 s28, s18  }
0xf0: {  	s29 =	spop (v2sf)  }
0xf1: {  	s18 =	sadd.f32 s29, s18  }
0xf2: {  	s30 =	spop (v2sf)  }
0xf3: {  	s21 =	simm.s32 $0x0;
	s18 =	sadd.f32 s30, s18  }
0xf4: {  	v6 =	vld [tilespmem:s21+$0x9000];
	s31 =	spop (v2sf)  }
0xf5: {  	s18 =	sadd.f32 s31, s18;
	_ =	sdelay $0x1  }
0xf6: {  	s18 =	smul.f32 $3.906250000e-03, s18;
	_ =	sdelay $0x1  }
0xf7: {  	v6 =	vmin.f32 v6, $4.000000000e+01;
	v5 =	vmov s18  }
0xf8: {  	v6 =	vadd.f32 v6, v5;
	_ =	sdelay $0x1  }
0xf9: {  	(xrf2) =	vadd.scan.msk.f32 $0xffff, v6;
	_ =	sdelay $0x9  }
0xfa: {  	s18 =	simm.f32 $0.0e+00;
	v6, _, _ =	vpop (xrf2)  }
0xfb: {  	v7 =	vadd.f32 s18, v6;
	(v2sf) =	vpush v6, $0xF;
	_ =	sdelay $0x1  }
0xfc: {  	v7 =	vmul.f32 $2.441406250e-04, v7;
	_ =	sdelay $0x1  }
0xfd: {  	v7 =	vmax.f32 v7, $0.0e+00  }
0xfe: {  	v7 =	vmin.f32 v7, $1.000000000e+00  }
0xff: {  	s19 =	simm.s32 $0x10;
	s20 =	simm.s32 $0x80;
	[tilespmem:s21+$0x9000] =	vst v7  }
.LBB2_10:
0x100: {  	p0 =	sne.s32 s20, $0x3C0;
	v6 =	vld [tilespmem:s19+$0x9000];
	_ =	sdelay $0x4  }
0x101: {  	v6 =	vmin.f32 v6, $4.000000000e+01  }
0x102: {  	v6 =	vadd.f32 v6, v5;
	_ =	sdelay $0x1  }
0x103: {  	(xrf2) =	vadd.scan.msk.f32 $0xffff, v6;
	s21 =	spop (v2sf)  }
0x104: {  	s18 =	sadd.f32 s21, s18;
	_ =	sdelay $0x8  }
0x105: {  	v6, _, _ =	vpop (xrf2)  }
0x106: {  	v7 =	vadd.f32 s18, v6;
	(v2sf) =	vpush v6, $0xF;
	_ =	sdelay $0x1  }
.Ltmp3:
0x107: {  	v6 =	vmul.f32 $2.441406250e-04, v7;
	(pc) =	sbr.rel @p0 .LBB2_10-.Ltmp3, $4  }
0x108: {  	_ = 	snop  }
0x109: {  	v6 =	vmax.f32 v6, $0.0e+00  }
0x10a: {  	v6 =	vmin.f32 v6, $1.000000000e+00  }
0x10b: {  	[tilespmem:s19+$0x9000] =	vst v6;
	s19 =	sshra.s32 s20, $0x2;
	s20 =	sadd.s32 $0x40, s20  }
0x10c: {  	v6 =	vld [tilespmem:s19+$0x9000];
	_ =	sdelay $0x4  }
0x10d: {  	v6 =	vmin.f32 v6, $4.000000000e+01  }
0x10e: {  	v5 =	vadd.f32 v6, v5;
	_ =	sdelay $0x1  }
0x10f: {  	(xrf2) =	vadd.scan.msk.f32 $0xffff, v5;
	_ =	sdelay $0x9  }
0x110: {  	v5, _, _ =	vpop (xrf2)  }
0x111: {  	(v2sf) =	vpush v5, $0xF;
	_ =	sdelay $0x2  }
0x112: {  	s20 =	spop (v2sf)  }
0x113: {  	s18 =	sadd.f32 s20, s18;
	_ =	sdelay $0x1  }
0x114: {  	v5 =	vadd.f32 s18, v5;
	_ =	sdelay $0x1  }
0x115: {  	v5 =	vmul.f32 $2.441406250e-04, v5;
	_ =	sdelay $0x1  }
0x116: {  	v5 =	vmax.f32 v5, $0.0e+00  }
0x117: {  	s30 =	sshll.u32 s16, $0x4;
	s16 =	sadd.s32 $0x1, s16;
	v5 =	vmin.f32 v5, $1.000000000e+00  }
0x118: {  	p0 =	sne.s32 s16, $0x8;
	s18 =	sadd.s32 s30, s17;
	[tilespmem:s19+$0x9000] =	vst v5  }
0x119: {  	[hbm4b:s18+s11] =	stream.strided.scatter [tilespmem:s13], [sflag:$0x1], $0x100, s12, s11, $0x38;
	[tilespmem:$0x9200] =	vst v63  }
.Ltmp4:
0x11a: {  	_ = 	snop;
	(pc) =	sbr.rel @p0 .LBB2_3-.Ltmp4, $4  }
0x11b: {  	s31 =	spop (v2sf)  }
0x11c: {  	_ =	swait.ge [sflag:s9], $0x100  }
0x11d: {  	[sflag:s9] =	ssyncset.done $0x0  }
0x11e: {  	[sflag:s9] =	ssyncadd.s32 $0xFFFFFF00  }
0x11f: {  	s15 =	sadd.s32 $0x1, s15  }
0x120: {  	p0 =	sne.s32 s15, $0x6  }
.Ltmp5:
0x121: {  	_ = 	snop;
	(pc) =	sbr.rel @p0 .LBB2_2-.Ltmp5, $1  }
0x122: {  	_ =	sdelay $0x3  }
0x123: {  	s14 =	sadd.s32 $0x1, s14  }
0x124: {  	p0 =	sne.s32 s14, s7  }
.Ltmp6:
0x125: {  	_ = 	snop;
	(pc) =	sbr.rel @p0 .LBB2_1-.Ltmp6, $1  }
0x126: {  	_ =	sdelay $0x3  }
0x127: {  	_ =	sfence.sel $0x180000  }
0x128: {  	[bflag:$0x0] =	sbarrier.arrive $0xFFFF  }
0x129: {  	p0 =	sne.s32 s3, $0x0;
	_ =	strace $0x90000047  }
0x12a: {  	s0 =	sadd.s32 @!p0 $0x100000, s0;
	[bflag:$0x2] =	sbarrier.arrive $0xFFFF  }
0x12b: {  	[sflag:s0] =	ssyncadd.tile.s32 @!p0 $0x1;
	_ =	shalt  }
.Lfunc_end2:
_tile_overlayer_lowered:
.L_overlay_start_2:
0x12c: {  	(tag) =	ssettag $0x2  }
0x12d: {  	s0 =	rddreg [dreg:$0x0];
	s2 =	stileid.u32  }
0x12e: {  	s1 =	rddreg [dreg:$0x1];
	p0 =	sne.s32 s2, $0x0  }
0x12f: {  	s3 =	rddreg [dreg:$0x2];
	[bflag:$0x3] =	sbarrier.arrive $0xFFFF;
	s2 =	simm.s32 @!p0 $0x1C01  }
0x130: {  	[timem:s3], [sflag:s2] =	dma.local @!p0 [hbm:s0], s1  }
0x131: {  	s0 =	simm.s32 @!p0 $0x1  }
0x132: {  	_ =	swait.ge @!p0 [sflag:s0], s1  }
0x133: {  	s1 =	ssub.s32 @!p0 $0x0, s1;
	[sflag:s0] =	ssyncset.done @!p0 $0x0  }
0x134: {  	[sflag:s0] =	ssyncadd.s32 @!p0 s1  }
0x135: {  	[bflag:$0x3] =	sbarrier.arrive $0xFFFF  }
0x136: {  	_ =	shalt  }

// kernel: kernel.8.cloned.1.call-start
scs
__scs_entry_jumppad:
0x0: {  	(pc) =	sbr.rel $0x88, $3  }
0x1: {  	(tag) =	ssettag $0x0;
	lr =	simm.s32 $0x1  }
0x2: {  	[smem:$0x3FA0] =	sst lr;
	_ =	strace $0xD0000000  }
0x3: {  	_ = 	snop  }
0x4: {  	_ = 	snop  }
0x5: {  	_ = 	snop  }
0x6: {  	_ = 	snop  }
0x7: {  	_ = 	snop  }
__scs_overlays_trampoline_lowered:
0x8: {  	[smem:$0x3FAF] =	sst s0  }
0x9: {  	[smem:$0x3FB0] =	sst s1  }
0xa: {  	[smem:$0x3FB1] =	sst s2  }
0xb: {  	[smem:$0x3FB2] =	sst s3  }
0xc: {  	[smem:$0x3FB3] =	sst s4  }
0xd: {  	[smem:$0x3FB4] =	sst s5  }
0xe: {  	[smem:$0x3FB5] =	sst s6  }
0xf: {  	[smem:$0x3FB6] =	sst s7  }
0x10: {  	[smem:$0x3FB7] =	sst s8  }
0x11: {  	[smem:$0x3FB8] =	sst s9;
	s0 =	simm.s32 @!p0 $0x0  }
0x12: {  	s1 =	sld [smem:$0x3F9E];
	s0 =	simm.s32 @p0 $0x1  }
0x13: {  	[smem:$0x3FB9] =	sst s0;
	s0 =	simm.s32 @!p1 $0x0  }
0x14: {  	s2 =	sld [smem:$0x3F9D];
	s0 =	simm.s32 @p1 $0x1  }
0x15: {  	[smem:$0x3FBA] =	sst s0;
	s0 =	simm.s32 @!p2 $0x0  }
0x16: {  	s3 =	sld [smem:$0x3FDB];
	s0 =	simm.s32 @p2 $0x1  }
0x17: {  	s4 =	simm.s32 $0x1BF5;
	[smem:$0x3FBC] =	sst s0  }
0x18: {  	s0 =	sld [smem:$0x3F9F];
	_ =	swait.ge [sflag:s4], $0x0  }
0x19: {  	s7 =	sld [smem:$0x3FA0]  }
0x1a: {  	s8 =	sadd.s32 $0xFFFFE003, lr  }
0x1b: {  	s9 =	sadd.s32 $0xFFFFFEF7, lr;
	s5 =	simm.s32 $0xFFFFFFFF;
	p2 =	slt.u32 s8, $0xFFFFF086  }
0x1c: {  	p1 =	slt.u32 s9, $0xF7A;
	s5 =	simm.s32 @!p2 $0x0  }
0x1d: {  	s5 =	simm.s32 @p1 $0x1;
	p0 =	seq.s32 s7, s2  }
0x1e: {  	s7 =	smul.u32 @!p0 $0xF7A, s2;
	p2 =	seq.s32 @!p0 s5, $0x0  }
0x1f: {  	s9 =	smul.u32 $0xF7A, s1;
	s8 =	simm.s32 @!p0 $0x1BF5;
	p2 =	por !p2, p0  }
0x20: {  	[sflag:s8] =	ssyncset.s32 @!p0 $0xFFFFF086;
	s6 =	sadd.s32 @!p0 s3, s7;
	s7 =	simm.s32 @!p0 $0x108  }
0x21: {  	s3 =	sadd.s32 s3, s9;
	s6 =	sadd.s32 @!p0 $0x88, s6;
	s7 =	simm.s32 @p2 $0x1082  }
0x22: {  	[simem:s7], [sflag:s8] =	dma.local @!p0 [hbm:s6], $0xF7A  }
0x23: {  	s9 =	sor.u32 $0xD0000000, s2;
	s6 =	simm.s32 $0x108;
	_ =	swait.ge @!p0 [sflag:s8], $0x0  }
0x24: {  	s3 =	sadd.s32 $0x88, s3;
	s6 =	simm.s32 @!p1 $0x1082;
	[sflag:s4] =	ssyncset.s32 $0xFFFFF086  }
0x25: {  	[simem:s6], [sflag:s4] =	dma.local [hbm:s3], $0xF7A  }
0x26: {  	[smem:$0x3FA0] =	sst s1;
	(tag) =	ssettag s2;
	_ =	strace s9  }
0x27: {  	s1 =	sld [smem:$0x3FB0]  }
0x28: {  	s2 =	sld [smem:$0x3FB1]  }
0x29: {  	s4 =	sld [smem:$0x3FB3]  }
0x2a: {  	p0 =	seq.s32 s5, $0x0;
	s5 =	sld [smem:$0x3FB4]  }
0x2b: {  	s6 =	sld [smem:$0x3FB5]  }
0x2c: {  	s7 =	sld [smem:$0x3FB6]  }
0x2d: {  	s3 =	simm.s32 $0x108;
	s8 =	sld [smem:$0x3FB7]  }
0x2e: {  	s3 =	simm.s32 @!p0 $0x1082;
	s9 =	sld [smem:$0x3FB8]  }
0x2f: {  	lr =	sadd.s32 s0, s3;
	s0 =	sld [smem:$0x3FAF]  }
0x30: {  	s3 =	sld [smem:$0x3FB2]  }
0x31: {  	[smem:$0x3FBB] =	sst s10  }
0x32: {  	s10 =	sld [smem:$0x3FB9];
	_ =	sdelay $0x3  }
0x33: {  	p0 =	seq.s32 s10, $0x1;
	s10 =	sld [smem:$0x3FBB];
	_ =	sdelay $0x3  }
0x34: {  	[smem:$0x3FBB] =	sst s10  }
0x35: {  	s10 =	sld [smem:$0x3FBA];
	_ =	sdelay $0x3  }
0x36: {  	p1 =	seq.s32 s10, $0x1;
	s10 =	sld [smem:$0x3FBB];
	_ =	sdelay $0x3  }
0x37: {  	[smem:$0x3FBB] =	sst s10  }
0x38: {  	s10 =	sld [smem:$0x3FBC]  }
0x39: {  	_ = 	snop;
	(pc) =	sbr.ind lr, $3  }
0x3a: {  	_ = 	snop  }
0x3b: {  	_ = 	snop  }
0x3c: {  	p2 =	seq.s32 s10, $0x1;
	s10 =	sld [smem:$0x3FBB]  }
0x3d: {  	_ =	shalt  }
0x3e: {  	_ =	shalt  }
0x3f: {  	_ =	shalt  }
0x40: {  	_ =	shalt  }
0x41: {  	_ =	shalt  }
0x42: {  	_ =	shalt  }
0x43: {  	_ =	shalt  }
0x44: {  	_ =	shalt  }
0x45: {  	_ =	shalt  }
0x46: {  	_ =	shalt  }
0x47: {  	_ =	shalt  }
0x48: {  	_ =	shalt  }
0x49: {  	_ =	shalt  }
0x4a: {  	_ =	shalt  }
0x4b: {  	_ =	shalt  }
0x4c: {  	_ =	shalt  }
0x4d: {  	_ =	shalt  }
0x4e: {  	_ =	shalt  }
0x4f: {  	_ =	shalt  }
0x50: {  	_ =	shalt  }
0x51: {  	_ =	shalt  }
0x52: {  	_ =	shalt  }
0x53: {  	_ =	shalt  }
0x54: {  	_ =	shalt  }
0x55: {  	_ =	shalt  }
0x56: {  	_ =	shalt  }
0x57: {  	_ =	shalt  }
0x58: {  	_ =	shalt  }
0x59: {  	_ =	shalt  }
0x5a: {  	_ =	shalt  }
0x5b: {  	_ =	shalt  }
0x5c: {  	_ =	shalt  }
0x5d: {  	_ =	shalt  }
0x5e: {  	_ =	shalt  }
0x5f: {  	_ =	shalt  }
0x60: {  	_ =	shalt  }
0x61: {  	_ =	shalt  }
0x62: {  	_ =	shalt  }
0x63: {  	_ =	shalt  }
0x64: {  	_ =	shalt  }
0x65: {  	_ =	shalt  }
0x66: {  	_ =	shalt  }
0x67: {  	_ =	shalt  }
0x68: {  	_ =	shalt  }
0x69: {  	_ =	shalt  }
0x6a: {  	_ =	shalt  }
0x6b: {  	_ =	shalt  }
0x6c: {  	_ =	shalt  }
0x6d: {  	_ =	shalt  }
0x6e: {  	_ =	shalt  }
0x6f: {  	_ =	shalt  }
0x70: {  	_ =	shalt  }
0x71: {  	_ =	shalt  }
0x72: {  	_ =	shalt  }
0x73: {  	_ =	shalt  }
0x74: {  	_ =	shalt  }
0x75: {  	_ =	shalt  }
0x76: {  	_ =	shalt  }
0x77: {  	_ =	shalt  }
0x78: {  	_ =	shalt  }
0x79: {  	_ =	shalt  }
0x7a: {  	_ =	shalt  }
0x7b: {  	_ =	shalt  }
0x7c: {  	_ =	shalt  }
0x7d: {  	_ =	shalt  }
0x7e: {  	_ =	shalt  }
0x7f: {  	_ =	shalt  }
0x80: {  	_ =	shalt  }
0x81: {  	_ =	shalt  }
0x82: {  	_ =	shalt  }
0x83: {  	_ =	shalt  }
0x84: {  	_ =	shalt  }
0x85: {  	_ =	shalt  }
0x86: {  	_ =	shalt  }
0x87: {  	_ =	shalt  }
.Lfunc_end0:
.L_simem_size_0:
called_computation.1_lowered:
.L_overlay_start_0:
0x88: {  	s2 =	sld [smem:$0x3FD9]  }
0x89: {  	s3 =	sld [smem:$0x3FFE];
	_ =	sdelay $0x1  }
0x8a: {  	s1 =	srdreg.scid  }
0x8b: {  	s0 =	sand.u32 $0x1, s1  }
0x8c: {  	s14 =	sshll.u32 s0, $0xA;
	s2 =	sadd.s32 s3, s2  }
0x8d: {  	s2 =	sadd.s32 s2, s14  }
0x8e: {  	[smem:$0x3FC7] =	sst s2  }
0x8f: {  	_ = 	snop  }
0x90: {  	s2 =	sld [smem:$0x3FD0];
	_ =	sdelay $0x2  }
0x91: {  	s15 =	simm.s32 $0xA;
	s4 =	simm.s32 $0x10  }
0x92: {  	[smem:s4], [sflag:s15] =	dma.local [hbm:s2], $0x1  }
0x93: {  	_ =	swait.eq [sflag:s15], $0x1  }
0x94: {  	[sflag:s15] =	ssyncset.done $0x0  }
0x95: {  	[sflag:s15] =	ssyncadd.s32 $0xFFFFFFFF  }
0x96: {  	s16 =	sld [smem:$0x10];
	(tm) =	ssettm $0x1  }
0x97: {  	s17 =	sld [smem:$0x3FFB];
	_ =	sdelay $0x3  }
0x98: {  	_ =	strace s17  }
0x99: {  	s3 =	sld [smem:$0x3FFC];
	_ =	sdelay $0x3  }
0x9a: {  	_ =	strace s3  }
0x9b: {  	s3 =	sld [smem:$0x3FFD];
	_ =	sdelay $0x3  }
0x9c: {  	_ =	strace s3  }
0x9d: {  	_ =	strace $0x8FFFFFFF  }
0x9e: {  	s18 =	sld [smem:$0x3FDB];
	_ =	sdelay $0x1  }
0x9f: {  	s19 =	simm.s32 $_scs_section_size  }
0xa0: {  	s5 =	simm.s32 $_size__tile_overlayer_lowered;
	s6 =	simm.s32 $_tile_overlayer_lowered  }
0xa1: {  	s22 =	simm.s32 $0x1BFF;
	s21 =	sshll.u32 s6, $0x1;
	s3 =	sadd.s32 s19, s18  }
0xa2: {  	s7 =	simm.s32 $0x0;
	s20 =	sshll.u32 s5, $0x1;
	s5 =	sadd.s32 s21, s3  }
0xa3: {  	[timem:s7], [sflag:s22] =	dma.local [hbm:s5], s20  }
0xa4: {  	_ =	swait.ge [sflag:s22], s20  }
0xa5: {  	s4 =	ssub.s32 $0x0, s20;
	[sflag:s22] =	ssyncset.done $0x0  }
0xa6: {  	[sflag:s22] =	ssyncadd.s32 s4;
	_ =	sdelay $0x1  }
0xa7: {  	s23 =	simm.s32 $0x1B8B  }
0xa8: {  	_ =	swait.ge [sflag:s23], $0x1  }
0xa9: {  	[sflag:s23] =	ssyncset.done $0x0  }
0xaa: {  	s25 =	simm.s32 $0x1B8E;
	s24 =	sld [smem:$0x3FFE];
	[sflag:s23] =	ssyncadd.s32 $0xFFFFFFFF  }
0xab: {  	s26 =	simm.s32 $execute0_lowered;
	[smem:$0x3FD2] =	sst s25  }
0xac: {  	s5 =	sshll.u32 s26, $0x1;
	_ =	strace $0x80000049;
	[dreg:$0x1] =	wrdreg $0xFFFFFFFF  }
0xad: {  	s28 =	simm.s32 $_size_execute0_lowered;
	s3 =	sadd.s32 s3, s5;
	[dreg:$0x0] =	wrdreg $0x0  }
0xae: {  	s5 =	sshll.u32 s28, $0x1;
	[dreg:$0x2] =	wrdreg s3  }
0xaf: {  	[dreg:$0x3] =	wrdreg s5  }
0xb0: {  	[dreg:$0x4] =	wrdreg $0xC0  }
0xb1: {  	_ =	task [dreg:s7], $0x5FFFF  }
0xb2: {  	[dreg:$0x1] =	wrdreg $0xFFFFFFFF  }
0xb3: {  	[dreg:$0x0] =	wrdreg $0x60  }
0xb4: {  	[dreg:$0x2] =	wrdreg s24  }
0xb5: {  	[dreg:$0x3] =	wrdreg s16  }
0xb6: {  	[dreg:$0x4] =	wrdreg $0x9  }
0xb7: {  	_ =	task.clear_ibuf [dreg:s7], $0x5FFFF;
	_ =	strace $0x90000049  }
0xb8: {  	s29 =	simm.s32 $0x9;
	_ =	strace $0x8000004B  }
0xb9: {  	_ =	swait.ge [sflag:s29], $0x1  }
0xba: {  	[sflag:s29] =	ssyncadd.s32 $0xFFFFFFFF  }
0xbb: {  	_ =	strace $0x9000004B  }
0xbc: {  	_ =	sfence  }
0xbd: {  	s30 =	sld [smem:$0x0];
	_ =	sdelay $0x2  }
0xbe: {  	s31 =	sshll.u32 s1, $0xD;
	s1 =	sshrl.u32 s1, $0x2  }
0xbf: {  	s3 =	sand.u32 $0x4000, s31;
	s1 =	sadd.s32 s1, s30  }
0xc0: {  	s0 =	sor.u32 s3, s0;
	s1 =	sshll.u32 s1, $0x11  }
0xc1: {  	s0 =	sor.u32 s1, s0  }
0xc2: {  	s0 =	sadd.s32 $0x8F2B, s0  }
0xc3: {  	[sflag:s0] =	ssyncadd.remote.s32 $0x1  }
0xc4: {  	_ =	sfence.sel $0xFFFF  }
0xc5: {  	[dreg:$0x0] =	wrdreg $0xFFFFFFFF;
	(pc) =	sbr.abs _section_cstart, $3  }
0xc6: {  	[dreg:$0x1] =	wrdreg $0xFFFFFFFF  }
0xc7: {  	_ =	task.clear_ibuf [dreg:s7], $0x2FFFF;
	_ =	strace $0x9FFFFFFF  }
0xc8: {  	(tm) =	ssettm $0x7FFFFFFF  }
0xc9: {  	_ =	shalt  }
tec
execute0_lowered:
.L_overlay_start_1:
0x0: {  	(tag) =	ssettag $0x1  }
0x1: {  	v0 =	vimm.f32 $1.500000000e+01;
	vm0 =	vcmask $0x300  }
0x2: {  	vm14 =	vcmask $0x704;
	v0 =	vsel vm0, $0x0, v0  }
0x3: {  	vm15 =	vcmask $0xB08;
	v0 =	vsel vm14, $0x3F800000, v0  }
0x4: {  	vm4 =	vcmask $0xF0C;
	v0 =	vsel vm15, $0x40000000, v0  }
0x5: {  	vm5 =	vcmask $0x1310;
	v0 =	vsel vm4, $0x40400000, v0  }
0x6: {  	s6 =	rddreg [dreg:$0x0];
	vm6 =	vcmask $0x1714;
	v0 =	vsel vm5, $0x40800000, v0  }
0x7: {  	s1 =	rddreg [dreg:$0x1];
	vm7 =	vcmask $0x1B18;
	v0 =	vsel vm6, $0x40A00000, v0  }
0x8: {  	s0 =	rddreg [dreg:$0x2];
	s2 =	simm.s32 $0x0;
	vm8 =	vcmask $0x1F1C;
	v0 =	vsel vm7, $0x40C00000, v0  }
0x9: {  	s3 =	srdreg.scid;
	vm9 =	vcmask $0x2320;
	s11 =	simm.s32 $0x80;
	s12 =	simm.s32 $0x400;
	v0 =	vsel vm8, $0x40E00000, v0  }
0xa: {  	vm10 =	vcmask $0x2724;
	s13 =	simm.s32 $0x8000;
	s14 =	simm.s32 $0x8800;
	s15 =	simm.s32 $0x9000;
	v0 =	vsel vm9, $0x41000000, v0  }
0xb: {  	vm11 =	vcmask $0x2B28;
	s16 =	simm.s32 $0x4000;
	s17 =	simm.s32 $0x0;
	[smem:$0x7FF] =	sst s2;
	v0 =	vsel vm10, $0x41100000, v0  }
0xc: {  	vm12 =	vcmask $0x2F2C;
	s7 =	sand.u32 $0x1, s3;
	s3 =	stileid.u32;
	s4 =	sadd.s32 $0xC00, s6;
	v0 =	vsel vm11, $0x41200000, v0  }
0xd: {  	vm13 =	vcmask $0x3330;
	s5 =	sadd.s32 $0xC0E00, s6;
	s6 =	sadd.s32 $0xC0C00, s6;
	s8 =	ssub.s32 $0x2, s7;
	v0 =	vsel vm12, $0x41300000, v0  }
0xe: {  	_ =	strace $0x8000004A;
	s10 =	sshll.u32 s3, $0x1;
	vm14 =	vcmask $0x3734;
	s9 =	sshrl.u32 s8, $0x1;
	v0 =	vsel vm13, $0x41400000, v0  }
0xf: {  	s7 =	sor.u32 s7, s10;
	s10 =	simm.s32 $0x1;
	vm15 =	vcmask $0x3B38;
	s8 =	ssub.s32 s8, s9;
	v0 =	vsel vm14, $0x41500000, v0  }
0x10: {  	s7 =	smul.u32 $0xC, s7;
	s9 =	simm.s32 $0x9080;
	s8 =	smax.u32 s8, $0x1;
	v0 =	vsel vm15, $0x41600000, v0  }
.LBB2_1:
0x11: {  	[tilespmem:s9], [sflag:$0x1] =	stream.linear.gather [hbm4b:s6+s2], $0x100, $0x38;
	[tilespmem:$0x9180] =	vst v63  }
0x12: {  	_ =	swait.ge [sflag:s10], $0x100  }
0x13: {  	[sflag:s10] =	ssyncset.done $0x0  }
0x14: {  	[sflag:s10] =	ssyncadd.s32 $0xFFFFFF00  }
0x15: {  	v1 =	vld [tilespmem:$0x9080]  }
0x16: {  	s18 =	simm.s32 $0x0;
	v2 =	vld [tilespmem:$0x9100]  }
.LBB2_2:
0x17: {  	s19 =	sadd.s32 s7, s18  }
0x18: {  	s20 =	sand.u32 $0xF, s19  }
0x19: {  	s21 =	sshll.u32 s20, $0x5  }
0x1a: {  	s24 =	scvt.s32.f32 s21  }
0x1b: {  	s26 =	sand.u32 $0x1, s18;
	s22 =	sshrl.u32 s19, $0x4  }
0x1c: {  	s19 =	sshll.u32 s22, $0xF;
	s23 =	sshll.u32 s20, $0xB;
	s21 =	sor.u32 $0x10, s21;
	v3 =	vadd.f32 s24, v0  }
0x1d: {  	s19 =	sor.u32 s23, s19;
	s23 =	sshrl.u32 s20, $0x1;
	s21 =	scvt.s32.f32 s21  }
0x1e: {  	s20 =	simm.s32 $0x0;
	s25 =	sadd.s32 s4, s19;
	s28 =	smax.u32 s23, $0x1;
	v3 =	vadd.f32 $5.000000000e-01, v3  }
0x1f: {  	[tilespmem:s20], [sflag:$0x1] =	stream.linear.gather [hbm4b:s25+s20], $0x4000, $0x38;
	v4 =	vadd.f32 s21, v0;
	[tilespmem:$0x9180] =	vst v63  }
0x20: {  	p0 =	seq.s32 s26, $0x1;
	s24 =	sadd.s32 $0xFFFFFFFF, s28;
	v3 =	vmul.f32 $1.562500000e-02, v3  }
0x21: {  	s29 =	smin.u32 s23, $0x6;
	s24 =	smov.u32 @p0 s23;
	v4 =	vadd.f32 $5.000000000e-01, v4  }
0x22: {  	s22 =	sshll.u32 s22, $0xE;
	s21 =	sadd.s32 $0x1, s29;
	s24 =	sshll.u32 s24, $0x7;
	v3 =	vadd.f32 $-5.000000000e-01, v3  }
0x23: {  	_ =	swait.ge [sflag:s10], $0x4000;
	s23 =	smov.u32 @p0 s21;
	s24 =	sor.u32 s22, s24;
	v4 =	vmul.f32 $1.562500000e-02, v4  }
0x24: {  	[sflag:s10] =	ssyncset.done $0x0;
	s31 =	sshll.u32 s23, $0x7;
	s24 =	sshrl.u32 s24, $0x3;
	v5 =	vadd.f32 $8.000000000e+00, v3  }
0x25: {  	[sflag:s10] =	ssyncadd.s32 $0xFFFFC000;
	s21 =	sand.u32 $0x380, s31;
	s30 =	sadd.s32 s5, s24;
	v4 =	vadd.f32 $-5.000000000e-01, v4  }
0x26: {  	[tilespmem:s13], [sflag:$0x1] =	stream.strided.gather [hbm4b:s30+s11], $0x800, s12, s11, $0x38;
	v5 =	vtrunc.f32 v5;
	[tilespmem:$0x9180] =	vst v63  }
0x27: {  	s21 =	sor.u32 s22, s21;
	_ =	swait.ge [sflag:s10], $0x800;
	v6 =	vadd.f32 $8.000000000e+00, v4;
	v5 =	vcvt.f32.s32 v5  }
0x28: {  	s21 =	sshrl.u32 s21, $0x3;
	[sflag:s10] =	ssyncset.done $0x0  }
0x29: {  	s21 =	sadd.s32 s5, s21;
	[sflag:s10] =	ssyncadd.s32 $0xFFFFF800;
	v6 =	vtrunc.f32 v6;
	v5 =	vcvt.s32.f32 v5  }
0x2a: {  	[tilespmem:s14], [sflag:$0x1] =	stream.strided.gather [hbm4b:s21+s11], $0x800, s12, s11, $0x38;
	v6 =	vadd.f32 $-8.000000000e+00, v6;
	[tilespmem:$0x9180] =	vst v63  }
0x2b: {  	_ =	swait.ge [sflag:s10], $0x800;
	v5 =	vadd.f32 $-8.000000000e+00, v5  }
0x2c: {  	[sflag:s10] =	ssyncset.done $0x0;
	v4 =	vsub.f32 v4, v6  }
0x2d: {  	[sflag:s10] =	ssyncadd.s32 $0xFFFFF800;
	v3 =	vsub.f32 v3, v5  }
0x2e: {  	[tilespmem:$0x9010] =	vst v4  }
0x2f: {  	s21 =	simm.s32 $0x0;
	[tilespmem:$0x9000] =	vst v3  }
.LBB2_3:
0x30: {  	s24 =	sshll.u32 s21, $0x5;
	s22 =	sshll.u32 s21, $0x8  }
0x31: {  	s23 =	sand.u32 $0x60, s24;
	s22 =	sand.u32 $0xC00, s22  }
0x32: {  	s28 =	sand.u32 $0x3000, s20;
	s22 =	sor.u32 s23, s22  }
0x33: {  	s25 =	sand.u32 $0x380, s20;
	s23 =	sor.u32 s28, s22  }
0x34: {  	s23 =	sor.u32 s25, s23  }
0x35: {  	v3 =	vld [tilespmem:s23+$0x0];
	_ =	sdelay $0x4  }
0x36: {  	v3 =	vsub.f32 v3, v1;
	_ =	sdelay $0x1  }
0x37: {  	v3 =	vmul.f32 v3, v2;
	_ =	sdelay $0x1  }
0x38: {  	s24 =	scvt.s32.f32 s24;
	v3 =	vadd.f32 $5.000000000e-01, v3  }
0x39: {  	s25 =	sshrl.u32 s21, $0x1  }
0x3a: {  	s26 =	sand.u32 $0x1, s21;
	v6 =	vadd.f32 s24, v0;
	s28 =	smax.u32 s25, $0x1;
	s29 =	smin.u32 s25, $0x6;
	v3 =	vtrunc.f32 v3  }
0x3b: {  	p0 =	seq.s32 s26, $0x1;
	s26 =	sadd.s32 $0xFFFFFFFF, s28;
	s24 =	sadd.s32 $0x1, s29;
	v4 =	vcvt.f32.s32 v3  }
0x3c: {  	v5 =	vadd.f32 $5.000000000e-01, v6;
	s26 =	smov.u32 @p0 s25;
	s25 =	smov.u32 @p0 s24  }
0x3d: {  	s24 =	sshll.u32 s25, $0x8;
	vm0 =	vlt.s32 v4, $0xFF  }
0x3e: {  	v5 =	vmul.f32 $1.562500000e-02, v5;
	s30 =	sshll.u32 s26, $0x8;
	v3 =	vmov s24;
	v7 =	vnsel vm0, $0xFF, v4  }
0x3f: {  	v4 =	vmov s30;
	v8 =	vadd.s32 v3, v7  }
0x40: {  	v5 =	vadd.f32 $-5.000000000e-01, v5;
	v7 =	vadd.s32 v4, v7;
	_ =	sdelay $0x1  }
0x41: {  	v9 =	vadd.f32 $8.000000000e+00, v5;
	_ =	sdelay $0x1  }
0x42: {  	v9 =	vtrunc.f32 v9;
	v10 =	vld.idx.msk [tilespmem:v8+s14+$0x0], $0xffff  }
0x43: {  	v9 =	vcvt.f32.s32 v9;
	v11 =	vld.idx.msk [tilespmem:v7+s13+$0x0], $0xffff  }
0x44: {  	v12 =	vld.idx.msk [tilespmem:v7+s14+$0x0], $0xffff  }
0x45: {  	v7 =	vcvt.s32.f32 v9;
	v8 =	vld.idx.msk [tilespmem:v8+s13+$0x0], $0xffff;
	_ =	sdelay $0x1  }
0x46: {  	v7 =	vadd.f32 $-8.000000000e+00, v7  }
0x47: {  	v9 =	vmov s20  }
0x48: {  	v5 =	vsub.f32 v5, v7  }
0x49: {  	v7 =	vsub.f32 v10, v12;
	v8 =	vsub.f32 v8, v11;
	_ =	sdelay $0x1  }
0x4a: {  	v8 =	vmul.f32 v8, v5;
	v10 =	vmul.f32 v7, v5  }
0x4b: {  	v7 =	vld.idx.msk [tilespmem:v9+s15+$0x0], $0xffff  }
0x4c: {  	v8 =	vadd.f32 v8, v11;
	v9 =	vadd.f32 v10, v12;
	_ =	sdelay $0x1  }
0x4d: {  	v9 =	vsub.f32 v9, v8;
	_ =	sdelay $0x1  }
0x4e: {  	v9 =	vmul.f32 v9, v7;
	_ =	sdelay $0x1  }
0x4f: {  	v8 =	vadd.f32 v9, v8;
	_ =	sdelay $0x1  }
0x50: {  	s31 =	sor.u32 $0x10, s23;
	[tilespmem:s23+$0x4000] =	vst v8  }
0x51: {  	v8 =	vld [tilespmem:s31+$0x0];
	_ =	sdelay $0x4  }
0x52: {  	v8 =	vsub.f32 v8, v1;
	_ =	sdelay $0x1  }
0x53: {  	v8 =	vmul.f32 v8, v2;
	_ =	sdelay $0x1  }
0x54: {  	v8 =	vadd.f32 $5.000000000e-01, v8;
	_ =	sdelay $0x1  }
0x55: {  	v8 =	vtrunc.f32 v8  }
0x56: {  	v8 =	vcvt.f32.s32 v8;
	_ =	sdelay $0x1  }
0x57: {  	vm15 =	vlt.s32 v8, $0xFF  }
0x58: {  	v8 =	vnsel vm15, $0xFF, v8  }
0x59: {  	v9 =	vadd.s32 v4, v8  }
0x5a: {  	v6 =	vadd.f32 $1.650000000e+01, v6;
	v8 =	vadd.s32 v3, v8;
	_ =	sdelay $0x1  }
0x5b: {  	v6 =	vmul.f32 $1.562500000e-02, v6;
	_ =	sdelay $0x1  }
0x5c: {  	v6 =	vadd.f32 $-5.000000000e-01, v6;
	v10 =	vld.idx.msk [tilespmem:v9+s13+$0x0], $0xffff  }
0x5d: {  	v11 =	vld.idx.msk [tilespmem:v8+s14+$0x0], $0xffff  }
0x5e: {  	v63 =	vadd.f32 $8.000000000e+00, v6;
	v8 =	vld.idx.msk [tilespmem:v8+s13+$0x0], $0xffff  }
0x5f: {  	v9 =	vld.idx.msk [tilespmem:v9+s14+$0x0], $0xffff  }
0x60: {  	v12 =	vtrunc.f32 v63  }
0x61: {  	v12 =	vadd.f32 $-8.000000000e+00, v12;
	_ =	sdelay $0x1  }
0x62: {  	v6 =	vsub.f32 v6, v12  }
0x63: {  	v8 =	vsub.f32 v8, v10;
	v11 =	vsub.f32 v11, v9;
	_ =	sdelay $0x1  }
0x64: {  	v8 =	vmul.f32 v8, v6;
	v11 =	vmul.f32 v11, v6;
	_ =	sdelay $0x1  }
0x65: {  	s25 =	simm.s32 $0x0;
	s26 =	simm.s32 $0x0;
	s24 =	simm.s32 $0x1;
	v8 =	vadd.f32 v8, v10;
	v9 =	vadd.f32 v11, v9  }
.LBB2_4:
0x66: {  	_ = 	snop  }
0x67: {  	p0 =	sne.s32 s24, $0x1F;
	s25 =	sadd.s32 $0x80, s25;
	s26 =	sadd.s32 $0x200, s26;
	v9 =	vsub.f32 v9, v8  }
0x68: {  	s28 =	smov.u32 s24;
	s24 =	sadd.s32 $0x1, s24  }
0x69: {  	v7 =	vmul.f32 v9, v7;
	_ =	sdelay $0x1  }
0x6a: {  	s30 =	sor.u32 $0x4010, s23;
	s29 =	sand.u32 $0x3000, s26;
	v7 =	vadd.f32 v7, v8  }
0x6b: {  	s23 =	sand.u32 $0x380, s25;
	s29 =	sor.u32 s29, s22  }
0x6c: {  	s23 =	sor.u32 s23, s29;
	[tilespmem:s30+$0x0] =	vst v7  }
0x6d: {  	v7 =	vld [tilespmem:s23+$0x0];
	_ =	sdelay $0x4  }
0x6e: {  	v7 =	vsub.f32 v7, v1;
	_ =	sdelay $0x1  }
0x6f: {  	v7 =	vmul.f32 v7, v2;
	_ =	sdelay $0x1  }
0x70: {  	v7 =	vadd.f32 $5.000000000e-01, v7;
	_ =	sdelay $0x1  }
0x71: {  	v7 =	vtrunc.f32 v7  }
0x72: {  	v7 =	vcvt.f32.s32 v7;
	_ =	sdelay $0x1  }
0x73: {  	vm0 =	vlt.s32 v7, $0xFF  }
0x74: {  	v7 =	vnsel vm0, $0xFF, v7  }
0x75: {  	v8 =	vadd.s32 v4, v7;
	v7 =	vadd.s32 v3, v7;
	_ =	sdelay $0x4  }
0x76: {  	v9 =	vld.idx.msk [tilespmem:v7+s14+$0x0], $0xffff  }
0x77: {  	v10 =	vld.idx.msk [tilespmem:v8+s13+$0x0], $0xffff  }
0x78: {  	v8 =	vld.idx.msk [tilespmem:v8+s14+$0x0], $0xffff  }
0x79: {  	v7 =	vld.idx.msk [tilespmem:v7+s13+$0x0], $0xffff;
	_ =	sdelay $0x2  }
0x7a: {  	v11 =	vmov s28;
	_ =	sdelay $0x1  }
0x7b: {  	v9 =	vsub.f32 v9, v8  }
0x7c: {  	v12 =	vsub.f32 v7, v10;
	_ =	sdelay $0x1  }
0x7d: {  	v9 =	vmul.f32 v9, v5;
	v7 =	vld.idx.msk [tilespmem:v11+s15+$0x0], $0xffff;
	v11 =	vmul.f32 v12, v5;
	_ =	sdelay $0x1  }
0x7e: {  	v8 =	vadd.f32 v9, v8;
	v10 =	vadd.f32 v11, v10;
	_ =	sdelay $0x1  }
0x7f: {  	v8 =	vsub.f32 v8, v10;
	_ =	sdelay $0x1  }
0x80: {  	v8 =	vmul.f32 v8, v7;
	_ =	sdelay $0x1  }
0x81: {  	v8 =	vadd.f32 v8, v10;
	_ =	sdelay $0x1  }
0x82: {  	s28 =	sor.u32 $0x10, s23;
	[tilespmem:s23+$0x4000] =	vst v8  }
0x83: {  	v8 =	vld [tilespmem:s28+$0x0];
	_ =	sdelay $0x4  }
0x84: {  	v8 =	vsub.f32 v8, v1;
	_ =	sdelay $0x1  }
0x85: {  	v8 =	vmul.f32 v8, v2;
	_ =	sdelay $0x1  }
0x86: {  	v8 =	vadd.f32 $5.000000000e-01, v8;
	_ =	sdelay $0x1  }
0x87: {  	v8 =	vtrunc.f32 v8  }
0x88: {  	v8 =	vcvt.f32.s32 v8;
	_ =	sdelay $0x1  }
0x89: {  	vm0 =	vlt.s32 v8, $0xFF  }
0x8a: {  	v8 =	vnsel vm0, $0xFF, v8  }
0x8b: {  	v9 =	vadd.s32 v4, v8;
	v8 =	vadd.s32 v3, v8;
	_ =	sdelay $0x4  }
0x8c: {  	v10 =	vld.idx.msk [tilespmem:v9+s13+$0x0], $0xffff  }
0x8d: {  	v11 =	vld.idx.msk [tilespmem:v8+s14+$0x0], $0xffff  }
0x8e: {  	v8 =	vld.idx.msk [tilespmem:v8+s13+$0x0], $0xffff  }
0x8f: {  	v9 =	vld.idx.msk [tilespmem:v9+s14+$0x0], $0xffff;
	_ =	sdelay $0x4  }
0x90: {  	v8 =	vsub.f32 v8, v10  }
.Ltmp0:
0x91: {  	v11 =	vsub.f32 v11, v9;
	(pc) =	sbr.rel @p0 .LBB2_4-.Ltmp0, $4  }
0x92: {  	v8 =	vmul.f32 v8, v6  }
0x93: {  	v11 =	vmul.f32 v11, v6  }
0x94: {  	v8 =	vadd.f32 v8, v10  }
0x95: {  	v9 =	vadd.f32 v11, v9  }
0x96: {  	_ = 	snop  }
0x97: {  	s21 =	sadd.s32 $0x1, s21;
	v3 =	vsub.f32 v9, v8  }
0x98: {  	p0 =	sne.s32 s21, $0x10  }
.Ltmp1:
0x99: {  	v3 =	vmul.f32 v3, v7;
	(pc) =	sbr.rel @p0 .LBB2_3-.Ltmp1, $4  }
0x9a: {  	_ = 	snop  }
0x9b: {  	v3 =	vadd.f32 v3, v8  }
0x9c: {  	s22 =	sor.u32 $0x4010, s23  }
0x9d: {  	[tilespmem:s22+$0x0] =	vst v3  }
0x9e: {  	s18 =	sadd.s32 $0x1, s18  }
0x9f: {  	p0 =	sne.s32 s18, $0xC  }
.Ltmp2:
0xa0: {  	s19 =	sadd.s32 s1, s19;
	(pc) =	sbr.rel @p0 .LBB2_2-.Ltmp2, $4  }
0xa1: {  	[hbm4b:s19+s2] =	stream.linear.scatter [tilespmem:s16], [sflag:$0x1], $0x4000, $0x38;
	[tilespmem:$0x9180] =	vst v63  }
0xa2: {  	_ =	swait.ge [sflag:s10], $0x4000  }
0xa3: {  	[sflag:s10] =	ssyncset.done $0x0  }
0xa4: {  	[sflag:s10] =	ssyncadd.s32 $0xFFFFC000  }
0xa5: {  	s17 =	sadd.s32 $0x1, s17  }
0xa6: {  	p0 =	sne.s32 s17, s8  }
.Ltmp3:
0xa7: {  	_ = 	snop;
	(pc) =	sbr.rel @p0 .LBB2_1-.Ltmp3, $1  }
0xa8: {  	_ =	sdelay $0x3  }
0xa9: {  	_ =	sfence.sel $0x180000  }
0xaa: {  	[bflag:$0x0] =	sbarrier.arrive $0xFFFF  }
0xab: {  	p0 =	sne.s32 s3, $0x0;
	_ =	strace $0x9000004A  }
0xac: {  	s0 =	sadd.s32 @!p0 $0x100000, s0;
	[bflag:$0x2] =	sbarrier.arrive $0xFFFF  }
0xad: {  	[sflag:s0] =	ssyncadd.tile.s32 @!p0 $0x1;
	_ =	shalt  }
.Lfunc_end2:
_tile_overlayer_lowered:
.L_overlay_start_2:
0xae: {  	(tag) =	ssettag $0x2  }
0xaf: {  	s0 =	rddreg [dreg:$0x0];
	s2 =	stileid.u32  }
0xb0: {  	s1 =	rddreg [dreg:$0x1];
	p0 =	sne.s32 s2, $0x0  }
0xb1: {  	s3 =	rddreg [dreg:$0x2];
	[bflag:$0x3] =	sbarrier.arrive $0xFFFF;
	s2 =	simm.s32 @!p0 $0x1C01  }
0xb2: {  	[timem:s3], [sflag:s2] =	dma.local @!p0 [hbm:s0], s1  }
0xb3: {  	s0 =	simm.s32 @!p0 $0x1  }
0xb4: {  	_ =	swait.ge @!p0 [sflag:s0], s1  }
0xb5: {  	s1 =	ssub.s32 @!p0 $0x0, s1;
	[sflag:s0] =	ssyncset.done @!p0 $0x0  }
0xb6: {  	[sflag:s0] =	ssyncadd.s32 @!p0 s1  }
0xb7: {  	[bflag:$0x3] =	sbarrier.arrive $0xFFFF  }
0xb8: {  	_ =	shalt  }

</sc_bundles>
